<compile_context>
chip_gen: v7x
topology: tpu7x:2x2x1
jax: 0.10.2.dev20260603
libtpu: 0.0.44.dev20260713+nightly
codegen_flags: <defaults>
</compile_context>

<pallas_src>
import functools

import jax
import jax.numpy as jnp
from jax import lax
from jax.experimental import pallas as pl
from jax.experimental.pallas import tpu as pltpu
from jax.experimental.pallas import tpu_sc as plsc

N = 10000
NP = 10240
E = 320000
F = 128
NCORE = 2
NSUB = 16
CW = 16
DW = 128
C = 80
RPT = NP // NSUB

_mesh = lambda: plsc.VectorSubcoreMesh(
    core_axis_name="c", subcore_axis_name="s", num_cores=NCORE, num_subcores=NSUB)


def _degrees(src, dst, ones2d, zcnt):
    ept = E // NSUB
    nchunks = ept // C

    @functools.partial(
        pl.kernel,
        mesh=_mesh(),
        out_type=jax.ShapeDtypeStruct((NCORE, NP, DW), jnp.float32),
        scratch_types=[
            pltpu.VMEM((C,), jnp.int32),
            pltpu.VMEM((C, DW), jnp.float32),
            pltpu.VMEM_SHARED((NP, DW), jnp.float32),
        ],
    )
    def k(src_hbm, dst_hbm, ones_hbm, z_hbm, cnt_hbm, idx_v, ones_v, acc):
        c = lax.axis_index("c")
        s = lax.axis_index("s")
        pltpu.sync_copy(ones_hbm, ones_v)
        pltpu.sync_copy(z_hbm, acc.at[pl.ds(s * RPT, RPT)])
        plsc.subcore_barrier()

        def run(e_hbm):
            def chunk(i, carry):
                eb = s * ept + i * C
                pltpu.sync_copy(e_hbm.at[pl.ds(eb, C)], idx_v)
                pltpu.sync_copy(ones_v, acc.at[idx_v], add=True)
                return carry

            lax.fori_loop(0, nchunks, chunk, 0)

        @pl.when(c == 0)
        def _():
            run(src_hbm)

        @pl.when(c == 1)
        def _():
            run(dst_hbm)

        plsc.subcore_barrier()
        pltpu.sync_copy(acc.at[pl.ds(s * RPT, RPT)],
                        cnt_hbm.at[c, pl.ds(s * RPT, RPT)])

    return k(src, dst, ones2d, zcnt)


def _aggregate(h0, h1, src, dst, zrows, feat_split):
    if feat_split:
        ept = E // NSUB
    else:
        ept = E // (NCORE * NSUB)
    nchunks = ept // C

    @functools.partial(
        pl.kernel,
        mesh=_mesh(),
        out_type=[jax.ShapeDtypeStruct((NP, F), jnp.float32),
                  jax.ShapeDtypeStruct((NP, F), jnp.float32)],
        scratch_types=[
            pltpu.VMEM((C,), jnp.int32),
            pltpu.VMEM((C,), jnp.int32),
            pltpu.VMEM((C, F), jnp.float32),
            pltpu.VMEM_SHARED((NP, F), jnp.float32),
            pltpu.SemaphoreType.DMA,
        ],
    )
    def k(h0_hbm, h1_hbm, src_hbm, dst_hbm, z_hbm, o0_hbm, o1_hbm,
          idx_s, idx_d, rows, acc, sem):
        c = lax.axis_index("c")
        s = lax.axis_index("s")
        pltpu.sync_copy(z_hbm, acc.at[pl.ds(s * RPT, RPT)])
        plsc.subcore_barrier()

        def run(h_hbm, out_hbm, base0):
            def chunk(i, carry):
                eb = base0 + i * C
                pltpu.sync_copy(src_hbm.at[pl.ds(eb, C)], idx_s)
                pltpu.sync_copy(dst_hbm.at[pl.ds(eb, C)], idx_d)
                pltpu.async_copy(h_hbm.at[idx_s], rows, sem).wait()
                pltpu.sync_copy(rows, acc.at[idx_d], add=True)
                return carry

            lax.fori_loop(0, nchunks, chunk, 0)
            plsc.subcore_barrier()
            pltpu.sync_copy(acc.at[pl.ds(s * RPT, RPT)],
                            out_hbm.at[pl.ds(s * RPT, RPT)])

        if feat_split:
            @pl.when(c == 0)
            def _():
                run(h0_hbm, o0_hbm, s * ept)

            @pl.when(c == 1)
            def _():
                run(h1_hbm, o1_hbm, s * ept)
        else:
            @pl.when(c == 0)
            def _():
                run(h0_hbm, o0_hbm, s * ept)

            @pl.when(c == 1)
            def _():
                run(h1_hbm, o1_hbm, (NSUB + s) * ept)

    return k(h0, h1, src, dst, zrows)


_BR = 1024


def _prep(cnt, x):
    grid = NP // _BR

    def body(cnt_ref, x_ref, ns_ref, nd_ref, xs_ref):
        cs = cnt_ref[0, :, :CW]
        cd = cnt_ref[1, :, :CW]
        ns = jnp.where(cs > 0, lax.rsqrt(jnp.maximum(cs, 1.0)), 0.0)
        nd = jnp.where(cd > 0, lax.rsqrt(jnp.maximum(cd, 1.0)), 0.0)
        ns_ref[...] = ns
        nd_ref[...] = nd
        xs_ref[...] = x_ref[...] * ns[:, :1]

    return pl.pallas_call(
        body,
        grid=(grid,),
        in_specs=[
            pl.BlockSpec((NCORE, _BR, DW), lambda i: (0, i, 0)),
            pl.BlockSpec((_BR, 128), lambda i: (i, 0)),
        ],
        out_specs=[
            pl.BlockSpec((_BR, CW), lambda i: (i, 0)),
            pl.BlockSpec((_BR, CW), lambda i: (i, 0)),
            pl.BlockSpec((_BR, 128), lambda i: (i, 0)),
        ],
        out_shape=[
            jax.ShapeDtypeStruct((NP, CW), jnp.float32),
            jax.ShapeDtypeStruct((NP, CW), jnp.float32),
            jax.ShapeDtypeStruct((NP, 128), jnp.float32),
        ],
    )(cnt, x)


def _mm1(p0, p1, nd, ns, W1, b1):
    grid = NP // _BR

    def body(p0_ref, p1_ref, nd_ref, ns_ref, w_ref, b_ref, y0_ref, y1_ref):
        agg = (p0_ref[...] + p1_ref[...]) * nd_ref[...][:, :1]
        h = jnp.dot(agg, w_ref[...], preferred_element_type=jnp.float32)
        h = jnp.maximum(h + b_ref[...], 0.0) * ns_ref[...][:, :1]
        y0_ref[...] = h[:, :128]
        y1_ref[...] = h[:, 128:]

    return pl.pallas_call(
        body,
        grid=(grid,),
        in_specs=[
            pl.BlockSpec((_BR, 128), lambda i: (i, 0)),
            pl.BlockSpec((_BR, 128), lambda i: (i, 0)),
            pl.BlockSpec((_BR, CW), lambda i: (i, 0)),
            pl.BlockSpec((_BR, CW), lambda i: (i, 0)),
            pl.BlockSpec((128, 256), lambda i: (0, 0)),
            pl.BlockSpec((1, 256), lambda i: (0, 0)),
        ],
        out_specs=[
            pl.BlockSpec((_BR, 128), lambda i: (i, 0)),
            pl.BlockSpec((_BR, 128), lambda i: (i, 0)),
        ],
        out_shape=[
            jax.ShapeDtypeStruct((NP, 128), jnp.float32),
            jax.ShapeDtypeStruct((NP, 128), jnp.float32),
        ],
    )(p0, p1, nd, ns, W1, b1)


def _mm2(a0, a1, nd, ns, W2, b2, W3):
    grid = NP // _BR

    def body(a0_ref, a1_ref, nd_ref, ns_ref, w2a_ref, w2b_ref, b_ref, w3_ref,
             t_ref):
        ndb = nd_ref[...][:, :1]
        h = jnp.dot(a0_ref[...] * ndb, w2a_ref[...],
                    preferred_element_type=jnp.float32)
        h += jnp.dot(a1_ref[...] * ndb, w2b_ref[...],
                     preferred_element_type=jnp.float32)
        h = jnp.maximum(h + b_ref[...], 0.0) * ns_ref[...][:, :1]
        t_ref[...] = jnp.dot(h, w3_ref[...], preferred_element_type=jnp.float32)

    return pl.pallas_call(
        body,
        grid=(grid,),
        in_specs=[
            pl.BlockSpec((_BR, 128), lambda i: (i, 0)),
            pl.BlockSpec((_BR, 128), lambda i: (i, 0)),
            pl.BlockSpec((_BR, CW), lambda i: (i, 0)),
            pl.BlockSpec((_BR, CW), lambda i: (i, 0)),
            pl.BlockSpec((128, 256), lambda i: (0, 0)),
            pl.BlockSpec((128, 256), lambda i: (0, 0)),
            pl.BlockSpec((1, 256), lambda i: (0, 0)),
            pl.BlockSpec((256, 128), lambda i: (0, 0)),
        ],
        out_specs=pl.BlockSpec((_BR, 128), lambda i: (i, 0)),
        out_shape=jax.ShapeDtypeStruct((NP, 128), jnp.float32),
    )(a0, a1, nd, ns, W2[:128], W2[128:], b2, W3)


def _final(q0, q1, nd, b3):
    grid = NP // _BR

    def body(q0_ref, q1_ref, nd_ref, b_ref, o_ref):
        agg = (q0_ref[...] + q1_ref[...]) * nd_ref[...][:, :1]
        o_ref[...] = jnp.maximum(agg + b_ref[...], 0.0)

    return pl.pallas_call(
        body,
        grid=(grid,),
        in_specs=[
            pl.BlockSpec((_BR, 128), lambda i: (i, 0)),
            pl.BlockSpec((_BR, 128), lambda i: (i, 0)),
            pl.BlockSpec((_BR, CW), lambda i: (i, 0)),
            pl.BlockSpec((1, 128), lambda i: (0, 0)),
        ],
        out_specs=pl.BlockSpec((_BR, 128), lambda i: (i, 0)),
        out_shape=jax.ShapeDtypeStruct((NP, 128), jnp.float32),
    )(q0, q1, nd, b3)


def kernel(x, edge_index, W1, b1, W2, b2, W3, b3):
    eidx = edge_index.astype(jnp.int32)
    src = eidx[0]
    dst = eidx[1]
    xp = jnp.pad(x, ((0, NP - N), (0, 0)))
    ones2d = jnp.ones((C, DW), jnp.float32)
    zcnt = jnp.zeros((RPT, DW), jnp.float32)
    zrows = jnp.zeros((RPT, F), jnp.float32)
    b1r = b1.reshape(1, -1)
    b2r = b2.reshape(1, -1)
    b3r = b3.reshape(1, -1)

    cnt = _degrees(src, dst, ones2d, zcnt)
    ns, nd, xs = _prep(cnt, xp)
    p0, p1 = _aggregate(xs, xs, src, dst, zrows, feat_split=False)
    y0, y1 = _mm1(p0, p1, nd, ns, W1, b1r)
    a0, a1 = _aggregate(y0, y1, src, dst, zrows, feat_split=True)
    t = _mm2(a0, a1, nd, ns, W2, b2r, W3)
    q0, q1 = _aggregate(t, t, src, dst, zrows, feat_split=False)
    return _final(q0, q1, nd, b3r)[:N]

# --- scband reference (transcript-rebuilt; emitter-appended) ---
"""Pipeline reference for scband-gcn-24919400252012 (READ-ONLY COPY).

The authoritative reference and input builder live on the scoring server;
editing this copy changes nothing except your own understanding.
"""

import jax, jax.numpy as jnp
import numpy as np

N_NODES = 10000
N_EDGES = 320000
IN_FEATS = 128
HIDDEN = 256
OUT_FEATS = 128


def setup_inputs(seed: int = 0) -> dict:
    key = jax.random.key(seed)
    k1, k2, k3, k4, k5 = jax.random.split(key, 5)
    x = jax.random.normal(k1, (N_NODES, IN_FEATS), dtype=jnp.float32)
    edge_index = jax.random.randint(k2, (2, N_EDGES), 0, N_NODES, dtype=jnp.int64)
    # GraphConv weights (Glorot-ish scale)
    W1 = jax.random.normal(k3, (IN_FEATS, HIDDEN), dtype=jnp.float32) * (1.0 / np.sqrt(IN_FEATS))
    b1 = jnp.zeros((HIDDEN,), dtype=jnp.float32)
    W2 = jax.random.normal(k4, (HIDDEN, HIDDEN), dtype=jnp.float32) * (1.0 / np.sqrt(HIDDEN))
    b2 = jnp.zeros((HIDDEN,), dtype=jnp.float32)
    W3 = jax.random.normal(k5, (HIDDEN, OUT_FEATS), dtype=jnp.float32) * (1.0 / np.sqrt(HIDDEN))
    b3 = jnp.zeros((OUT_FEATS,), dtype=jnp.float32)
    return {"x": x, "edge_index": edge_index, "W1": W1, "b1": b1, "W2": W2, "b2": b2, "W3": W3, "b3": b3}


def _graph_conv(x, src, dst, W, b, n_nodes):
    # DGL GraphConv with norm='both': h = D_in^{-1/2} A D_out^{-1/2} x W + b
    out_deg = jnp.zeros((n_nodes,), dtype=x.dtype).at[src].add(1.0)
    in_deg = jnp.zeros((n_nodes,), dtype=x.dtype).at[dst].add(1.0)
    norm_src = jnp.where(out_deg > 0, jax.lax.rsqrt(jnp.maximum(out_deg, 1.0)), 0.0)
    norm_dst = jnp.where(in_deg > 0, jax.lax.rsqrt(jnp.maximum(in_deg, 1.0)), 0.0)
    h = x * norm_src[:, None]
    msg = jnp.take(h, src, axis=0)
    agg = jnp.zeros((n_nodes, x.shape[1]), dtype=x.dtype).at[dst].add(msg)
    agg = agg * norm_dst[:, None]
    return agg @ W + b


def reference(x, edge_index, W1, b1, W2, b2, W3, b3):
    src = edge_index[0]
    dst = edge_index[1]
    n = x.shape[0]
    # layer 1 (block reused as full graph for all layers)
    h = _graph_conv(x, src, dst, W1, b1, n)
    h = jax.nn.relu(h)
    # layer 2
    h = _graph_conv(h, src, dst, W2, b2, n)
    h = jax.nn.relu(h)
    # layer 3
    h = _graph_conv(h, src, dst, W3, b3, n)
    h = jax.nn.relu(h)
    return h

if __name__ == "__main__":
    import jax
    _d = setup_inputs()
    print(jax.jit(kernel)(*tuple(_d.values())))

</pallas_src>

<mosaic_0001>
#map = affine_map<(d0, d1) -> (0, 0)>
#map1 = affine_map<(d0, d1) -> (0)>
module attributes {stable_mosaic.version = 14 : i64} {
  func.func @k(%arg0: i32, %arg1: i32, %arg2: memref<10240x128xf32, #tpu.memory_space<hbm>>, %arg3: memref<10240x128xf32, #tpu.memory_space<hbm>>, %arg4: memref<320000xi32, #tpu.memory_space<hbm>>, %arg5: memref<320000xi32, #tpu.memory_space<hbm>>, %arg6: memref<640x128xf32, #tpu.memory_space<hbm>>, %arg7: memref<10240x128xf32, #tpu.memory_space<hbm>>, %arg8: memref<10240x128xf32, #tpu.memory_space<hbm>>, %arg9: memref<80xi32, #tpu.memory_space<vmem>>, %arg10: memref<80xi32, #tpu.memory_space<vmem>>, %arg11: memref<80x128xf32, #tpu.memory_space<vmem>>, %arg12: memref<10240x128xf32, #tpu.memory_space<vmem_shared>>, %arg13: memref<!tpu.dma_semaphore, #tpu.memory_space<semaphore_mem>>) attributes {dimension_semantics = [#tpu.dimension_semantics<core_parallel>, #tpu.dimension_semantics<subcore_parallel>], iteration_bounds = array<i64: 2, 16>, scalar_prefetch = 0 : i64, scratch_operands = 5 : i64, tpu.core_type = #tpu.core_type<sc_vector_subcore>, window_params = [{transform_indices = #map}, {transform_indices = #map}, {transform_indices = #map1}, {transform_indices = #map1}, {transform_indices = #map}, {transform_indices = #map}, {transform_indices = #map}]} {
    %mul3A = arith.constant 640 : i32
    %mul3A_0 = arith.muli %arg1, %mul3A : i32
    "tpu.region"() ({
      %run_scoped3A = tpu.sem_alloc : memref<!tpu.dma_semaphore, #tpu.memory_space<semaphore_mem>>
      %dma_start3A = arith.constant 0 : i32
      %dma_start3A_8 = tpu.memref_slice %arg12[%mul3A_0, %dma_start3A] : memref<10240x128xf32, #tpu.memory_space<vmem_shared>> -> memref<640x128xf32, #tpu.memory_space<vmem_shared>>
      tpu.enqueue_dma source(%arg6 : memref<640x128xf32, #tpu.memory_space<hbm>>) target(%dma_start3A_8 : memref<640x128xf32, #tpu.memory_space<vmem_shared>>) target_semaphore(%run_scoped3A : memref<!tpu.dma_semaphore, #tpu.memory_space<semaphore_mem>>)
      %dma_wait3A = arith.constant 0 : i32
      %dma_wait3A_9 = tpu.memref_slice %arg12[%mul3A_0, %dma_wait3A] : memref<10240x128xf32, #tpu.memory_space<vmem_shared>> -> memref<640x128xf32, #tpu.memory_space<vmem_shared>>
      tpu.wait_dma2 semaphore(%run_scoped3A : memref<!tpu.dma_semaphore, #tpu.memory_space<semaphore_mem>>) src(%arg6 : memref<640x128xf32, #tpu.memory_space<hbm>>) dst(%dma_wait3A_9 : memref<640x128xf32, #tpu.memory_space<vmem_shared>>)
      tpu.yield
    }) : () -> ()
    %barrier3A = arith.constant 0 : index
    tpu.barrier barrier_id(%barrier3A)
    %eq3A = arith.constant 0 : i32
    %eq3A_1 = arith.cmpi eq, %arg0, %eq3A : i32
    %convert_element_type3A = arith.extui %eq3A_1 : i1 to i32
    %cond3A = arith.constant 0 : i32
    %cond3A_2 = arith.cmpi ne, %convert_element_type3A, %cond3A : i32
    scf.if %cond3A_2 {
      %mul3A_8 = arith.constant 20000 : i32
      %mul3A_9 = arith.muli %arg1, %mul3A_8 : i32
      %scan3A = arith.constant 0 : i32
      %scan3A_10 = arith.constant 0 : i32
      %scan3A_11 = arith.constant 250 : i32
      %scan3A_12 = arith.addi %scan3A_10, %scan3A_11 : i32
      %scan3A_13 = arith.constant 1 : i32
      scf.for %scan3A_20 = %scan3A_10 to %scan3A_12 step %scan3A_13  : i32 {
        %mul3A_21 = arith.constant 80 : i32
        %mul3A_22 = arith.muli %scan3A_20, %mul3A_21 : i32
        %add3A = arith.addi %mul3A_9, %mul3A_22 : i32
        "tpu.region"() ({
          %run_scoped3A = tpu.sem_alloc : memref<!tpu.dma_semaphore, #tpu.memory_space<semaphore_mem>>
          %dma_start3A_27 = tpu.memref_slice %arg4[%add3A] : memref<320000xi32, #tpu.memory_space<hbm>> -> memref<80xi32, #tpu.memory_space<hbm>>
          %dma_start3A_28 = tpu.memref_slice %arg4[%add3A] : memref<320000xi32, #tpu.memory_space<hbm>> -> memref<80xi32, #tpu.memory_space<hbm>>
          tpu.enqueue_dma source(%dma_start3A_28 : memref<80xi32, #tpu.memory_space<hbm>>) target(%arg9 : memref<80xi32, #tpu.memory_space<vmem>>) target_semaphore(%run_scoped3A : memref<!tpu.dma_semaphore, #tpu.memory_space<semaphore_mem>>)
          %dma_wait3A_29 = tpu.memref_slice %arg4[%add3A] : memref<320000xi32, #tpu.memory_space<hbm>> -> memref<80xi32, #tpu.memory_space<hbm>>
          %dma_wait3A_30 = tpu.memref_slice %arg4[%add3A] : memref<320000xi32, #tpu.memory_space<hbm>> -> memref<80xi32, #tpu.memory_space<hbm>>
          tpu.wait_dma2 semaphore(%run_scoped3A : memref<!tpu.dma_semaphore, #tpu.memory_space<semaphore_mem>>) src(%dma_wait3A_30 : memref<80xi32, #tpu.memory_space<hbm>>) dst(%arg9 : memref<80xi32, #tpu.memory_space<vmem>>)
          tpu.yield
        }) : () -> ()
        "tpu.region"() ({
          %run_scoped3A = tpu.sem_alloc : memref<!tpu.dma_semaphore, #tpu.memory_space<semaphore_mem>>
          %dma_start3A_27 = tpu.memref_slice %arg5[%add3A] : memref<320000xi32, #tpu.memory_space<hbm>> -> memref<80xi32, #tpu.memory_space<hbm>>
          %dma_start3A_28 = tpu.memref_slice %arg5[%add3A] : memref<320000xi32, #tpu.memory_space<hbm>> -> memref<80xi32, #tpu.memory_space<hbm>>
          tpu.enqueue_dma source(%dma_start3A_28 : memref<80xi32, #tpu.memory_space<hbm>>) target(%arg10 : memref<80xi32, #tpu.memory_space<vmem>>) target_semaphore(%run_scoped3A : memref<!tpu.dma_semaphore, #tpu.memory_space<semaphore_mem>>)
          %dma_wait3A_29 = tpu.memref_slice %arg5[%add3A] : memref<320000xi32, #tpu.memory_space<hbm>> -> memref<80xi32, #tpu.memory_space<hbm>>
          %dma_wait3A_30 = tpu.memref_slice %arg5[%add3A] : memref<320000xi32, #tpu.memory_space<hbm>> -> memref<80xi32, #tpu.memory_space<hbm>>
          tpu.wait_dma2 semaphore(%run_scoped3A : memref<!tpu.dma_semaphore, #tpu.memory_space<semaphore_mem>>) src(%dma_wait3A_30 : memref<80xi32, #tpu.memory_space<hbm>>) dst(%arg10 : memref<80xi32, #tpu.memory_space<vmem>>)
          tpu.yield
        }) : () -> ()
        %dma_start3A = arith.constant 0 : i32
        %dma_start3A_23 = arith.constant 0 : i32
        %dma_start3A_24 = tpu.memref_slice %arg2[%dma_start3A, %dma_start3A_23] : memref<10240x128xf32, #tpu.memory_space<hbm>> -> memref<10240x128xf32, #tpu.memory_space<hbm>>
        tpu.enqueue_indirect_dma source(%dma_start3A_24 : memref<10240x128xf32, #tpu.memory_space<hbm>>) target(%arg11 : memref<80x128xf32, #tpu.memory_space<vmem>>) offsets(%arg9 : memref<80xi32, #tpu.memory_space<vmem>>) semaphore(%arg13 : memref<!tpu.dma_semaphore, #tpu.memory_space<semaphore_mem>>)
        %dma_wait3A = arith.constant 0 : i32
        %dma_wait3A_25 = arith.constant 0 : i32
        %dma_wait3A_26 = tpu.memref_slice %arg2[%dma_wait3A, %dma_wait3A_25] : memref<10240x128xf32, #tpu.memory_space<hbm>> -> memref<10240x128xf32, #tpu.memory_space<hbm>>
        tpu.wait_indirect_dma semaphore(%arg13 : memref<!tpu.dma_semaphore, #tpu.memory_space<semaphore_mem>>) src(%dma_wait3A_26 : memref<10240x128xf32, #tpu.memory_space<hbm>>) dst(%arg11 : memref<80x128xf32, #tpu.memory_space<vmem>>)
        "tpu.region"() ({
          %run_scoped3A = tpu.sem_alloc : memref<!tpu.dma_semaphore, #tpu.memory_space<semaphore_mem>>
          %dma_start3A_27 = arith.constant 0 : i32
          %dma_start3A_28 = arith.constant 0 : i32
          %dma_start3A_29 = tpu.memref_slice %arg12[%dma_start3A_27, %dma_start3A_28] : memref<10240x128xf32, #tpu.memory_space<vmem_shared>> -> memref<10240x128xf32, #tpu.memory_space<vmem_shared>>
          tpu.enqueue_indirect_dma source(%arg11 : memref<80x128xf32, #tpu.memory_space<vmem>>) target(%dma_start3A_29 : memref<10240x128xf32, #tpu.memory_space<vmem_shared>>) offsets(%arg10 : memref<80xi32, #tpu.memory_space<vmem>>) semaphore(%run_scoped3A : memref<!tpu.dma_semaphore, #tpu.memory_space<semaphore_mem>>) {add = true}
          %dma_wait3A_30 = arith.constant 0 : i32
          %dma_wait3A_31 = arith.constant 0 : i32
          %dma_wait3A_32 = tpu.memref_slice %arg12[%dma_wait3A_30, %dma_wait3A_31] : memref<10240x128xf32, #tpu.memory_space<vmem_shared>> -> memref<10240x128xf32, #tpu.memory_space<vmem_shared>>
          tpu.wait_indirect_dma semaphore(%run_scoped3A : memref<!tpu.dma_semaphore, #tpu.memory_space<semaphore_mem>>) src(%arg11 : memref<80x128xf32, #tpu.memory_space<vmem>>) dst(%dma_wait3A_32 : memref<10240x128xf32, #tpu.memory_space<vmem_shared>>)
          tpu.yield
        }) : () -> ()
      }
      %scan3A_14 = arith.constant 250 : i32
      %barrier3A_15 = arith.constant 0 : index
      tpu.barrier barrier_id(%barrier3A_15)
      %mul3A_16 = arith.constant 640 : i32
      %mul3A_17 = arith.muli %arg1, %mul3A_16 : i32
      %mul3A_18 = arith.constant 640 : i32
      %mul3A_19 = arith.muli %arg1, %mul3A_18 : i32
      "tpu.region"() ({
        %run_scoped3A = tpu.sem_alloc : memref<!tpu.dma_semaphore, #tpu.memory_space<semaphore_mem>>
        %dma_start3A = arith.constant 0 : i32
        %dma_start3A_20 = tpu.memref_slice %arg7[%mul3A_19, %dma_start3A] : memref<10240x128xf32, #tpu.memory_space<hbm>> -> memref<640x128xf32, #tpu.memory_space<hbm>>
        %dma_start3A_21 = arith.constant 0 : i32
        %dma_start3A_22 = tpu.memref_slice %arg12[%mul3A_17, %dma_start3A_21] : memref<10240x128xf32, #tpu.memory_space<vmem_shared>> -> memref<640x128xf32, #tpu.memory_space<vmem_shared>>
        tpu.enqueue_dma source(%dma_start3A_22 : memref<640x128xf32, #tpu.memory_space<vmem_shared>>) target(%dma_start3A_20 : memref<640x128xf32, #tpu.memory_space<hbm>>) target_semaphore(%run_scoped3A : memref<!tpu.dma_semaphore, #tpu.memory_space<semaphore_mem>>)
        %dma_wait3A = arith.constant 0 : i32
        %dma_wait3A_23 = tpu.memref_slice %arg7[%mul3A_19, %dma_wait3A] : memref<10240x128xf32, #tpu.memory_space<hbm>> -> memref<640x128xf32, #tpu.memory_space<hbm>>
        %dma_wait3A_24 = arith.constant 0 : i32
        %dma_wait3A_25 = tpu.memref_slice %arg12[%mul3A_17, %dma_wait3A_24] : memref<10240x128xf32, #tpu.memory_space<vmem_shared>> -> memref<640x128xf32, #tpu.memory_space<vmem_shared>>
        tpu.wait_dma2 semaphore(%run_scoped3A : memref<!tpu.dma_semaphore, #tpu.memory_space<semaphore_mem>>) src(%dma_wait3A_25 : memref<640x128xf32, #tpu.memory_space<vmem_shared>>) dst(%dma_wait3A_23 : memref<640x128xf32, #tpu.memory_space<hbm>>)
        tpu.yield
      }) : () -> ()
    } else {
    }
    %eq3A_3 = arith.constant 1 : i32
    %eq3A_4 = arith.cmpi eq, %arg0, %eq3A_3 : i32
    %convert_element_type3A_5 = arith.extui %eq3A_4 : i1 to i32
    %cond3A_6 = arith.constant 0 : i32
    %cond3A_7 = arith.cmpi ne, %convert_element_type3A_5, %cond3A_6 : i32
    scf.if %cond3A_7 {
      %mul3A_8 = arith.constant 20000 : i32
      %mul3A_9 = arith.muli %arg1, %mul3A_8 : i32
      %scan3A = arith.constant 0 : i32
      %scan3A_10 = arith.constant 0 : i32
      %scan3A_11 = arith.constant 250 : i32
      %scan3A_12 = arith.addi %scan3A_10, %scan3A_11 : i32
      %scan3A_13 = arith.constant 1 : i32
      scf.for %scan3A_20 = %scan3A_10 to %scan3A_12 step %scan3A_13  : i32 {
        %mul3A_21 = arith.constant 80 : i32
        %mul3A_22 = arith.muli %scan3A_20, %mul3A_21 : i32
        %add3A = arith.addi %mul3A_9, %mul3A_22 : i32
        "tpu.region"() ({
          %run_scoped3A = tpu.sem_alloc : memref<!tpu.dma_semaphore, #tpu.memory_space<semaphore_mem>>
          %dma_start3A_27 = tpu.memref_slice %arg4[%add3A] : memref<320000xi32, #tpu.memory_space<hbm>> -> memref<80xi32, #tpu.memory_space<hbm>>
          %dma_start3A_28 = tpu.memref_slice %arg4[%add3A] : memref<320000xi32, #tpu.memory_space<hbm>> -> memref<80xi32, #tpu.memory_space<hbm>>
          tpu.enqueue_dma source(%dma_start3A_28 : memref<80xi32, #tpu.memory_space<hbm>>) target(%arg9 : memref<80xi32, #tpu.memory_space<vmem>>) target_semaphore(%run_scoped3A : memref<!tpu.dma_semaphore, #tpu.memory_space<semaphore_mem>>)
          %dma_wait3A_29 = tpu.memref_slice %arg4[%add3A] : memref<320000xi32, #tpu.memory_space<hbm>> -> memref<80xi32, #tpu.memory_space<hbm>>
          %dma_wait3A_30 = tpu.memref_slice %arg4[%add3A] : memref<320000xi32, #tpu.memory_space<hbm>> -> memref<80xi32, #tpu.memory_space<hbm>>
          tpu.wait_dma2 semaphore(%run_scoped3A : memref<!tpu.dma_semaphore, #tpu.memory_space<semaphore_mem>>) src(%dma_wait3A_30 : memref<80xi32, #tpu.memory_space<hbm>>) dst(%arg9 : memref<80xi32, #tpu.memory_space<vmem>>)
          tpu.yield
        }) : () -> ()
        "tpu.region"() ({
          %run_scoped3A = tpu.sem_alloc : memref<!tpu.dma_semaphore, #tpu.memory_space<semaphore_mem>>
          %dma_start3A_27 = tpu.memref_slice %arg5[%add3A] : memref<320000xi32, #tpu.memory_space<hbm>> -> memref<80xi32, #tpu.memory_space<hbm>>
          %dma_start3A_28 = tpu.memref_slice %arg5[%add3A] : memref<320000xi32, #tpu.memory_space<hbm>> -> memref<80xi32, #tpu.memory_space<hbm>>
          tpu.enqueue_dma source(%dma_start3A_28 : memref<80xi32, #tpu.memory_space<hbm>>) target(%arg10 : memref<80xi32, #tpu.memory_space<vmem>>) target_semaphore(%run_scoped3A : memref<!tpu.dma_semaphore, #tpu.memory_space<semaphore_mem>>)
          %dma_wait3A_29 = tpu.memref_slice %arg5[%add3A] : memref<320000xi32, #tpu.memory_space<hbm>> -> memref<80xi32, #tpu.memory_space<hbm>>
          %dma_wait3A_30 = tpu.memref_slice %arg5[%add3A] : memref<320000xi32, #tpu.memory_space<hbm>> -> memref<80xi32, #tpu.memory_space<hbm>>
          tpu.wait_dma2 semaphore(%run_scoped3A : memref<!tpu.dma_semaphore, #tpu.memory_space<semaphore_mem>>) src(%dma_wait3A_30 : memref<80xi32, #tpu.memory_space<hbm>>) dst(%arg10 : memref<80xi32, #tpu.memory_space<vmem>>)
          tpu.yield
        }) : () -> ()
        %dma_start3A = arith.constant 0 : i32
        %dma_start3A_23 = arith.constant 0 : i32
        %dma_start3A_24 = tpu.memref_slice %arg3[%dma_start3A, %dma_start3A_23] : memref<10240x128xf32, #tpu.memory_space<hbm>> -> memref<10240x128xf32, #tpu.memory_space<hbm>>
        tpu.enqueue_indirect_dma source(%dma_start3A_24 : memref<10240x128xf32, #tpu.memory_space<hbm>>) target(%arg11 : memref<80x128xf32, #tpu.memory_space<vmem>>) offsets(%arg9 : memref<80xi32, #tpu.memory_space<vmem>>) semaphore(%arg13 : memref<!tpu.dma_semaphore, #tpu.memory_space<semaphore_mem>>)
        %dma_wait3A = arith.constant 0 : i32
        %dma_wait3A_25 = arith.constant 0 : i32
        %dma_wait3A_26 = tpu.memref_slice %arg3[%dma_wait3A, %dma_wait3A_25] : memref<10240x128xf32, #tpu.memory_space<hbm>> -> memref<10240x128xf32, #tpu.memory_space<hbm>>
        tpu.wait_indirect_dma semaphore(%arg13 : memref<!tpu.dma_semaphore, #tpu.memory_space<semaphore_mem>>) src(%dma_wait3A_26 : memref<10240x128xf32, #tpu.memory_space<hbm>>) dst(%arg11 : memref<80x128xf32, #tpu.memory_space<vmem>>)
        "tpu.region"() ({
          %run_scoped3A = tpu.sem_alloc : memref<!tpu.dma_semaphore, #tpu.memory_space<semaphore_mem>>
          %dma_start3A_27 = arith.constant 0 : i32
          %dma_start3A_28 = arith.constant 0 : i32
          %dma_start3A_29 = tpu.memref_slice %arg12[%dma_start3A_27, %dma_start3A_28] : memref<10240x128xf32, #tpu.memory_space<vmem_shared>> -> memref<10240x128xf32, #tpu.memory_space<vmem_shared>>
          tpu.enqueue_indirect_dma source(%arg11 : memref<80x128xf32, #tpu.memory_space<vmem>>) target(%dma_start3A_29 : memref<10240x128xf32, #tpu.memory_space<vmem_shared>>) offsets(%arg10 : memref<80xi32, #tpu.memory_space<vmem>>) semaphore(%run_scoped3A : memref<!tpu.dma_semaphore, #tpu.memory_space<semaphore_mem>>) {add = true}
          %dma_wait3A_30 = arith.constant 0 : i32
          %dma_wait3A_31 = arith.constant 0 : i32
          %dma_wait3A_32 = tpu.memref_slice %arg12[%dma_wait3A_30, %dma_wait3A_31] : memref<10240x128xf32, #tpu.memory_space<vmem_shared>> -> memref<10240x128xf32, #tpu.memory_space<vmem_shared>>
          tpu.wait_indirect_dma semaphore(%run_scoped3A : memref<!tpu.dma_semaphore, #tpu.memory_space<semaphore_mem>>) src(%arg11 : memref<80x128xf32, #tpu.memory_space<vmem>>) dst(%dma_wait3A_32 : memref<10240x128xf32, #tpu.memory_space<vmem_shared>>)
          tpu.yield
        }) : () -> ()
      }
      %scan3A_14 = arith.constant 250 : i32
      %barrier3A_15 = arith.constant 0 : index
      tpu.barrier barrier_id(%barrier3A_15)
      %mul3A_16 = arith.constant 640 : i32
      %mul3A_17 = arith.muli %arg1, %mul3A_16 : i32
      %mul3A_18 = arith.constant 640 : i32
      %mul3A_19 = arith.muli %arg1, %mul3A_18 : i32
      "tpu.region"() ({
        %run_scoped3A = tpu.sem_alloc : memref<!tpu.dma_semaphore, #tpu.memory_space<semaphore_mem>>
        %dma_start3A = arith.constant 0 : i32
        %dma_start3A_20 = tpu.memref_slice %arg8[%mul3A_19, %dma_start3A] : memref<10240x128xf32, #tpu.memory_space<hbm>> -> memref<640x128xf32, #tpu.memory_space<hbm>>
        %dma_start3A_21 = arith.constant 0 : i32
        %dma_start3A_22 = tpu.memref_slice %arg12[%mul3A_17, %dma_start3A_21] : memref<10240x128xf32, #tpu.memory_space<vmem_shared>> -> memref<640x128xf32, #tpu.memory_space<vmem_shared>>
        tpu.enqueue_dma source(%dma_start3A_22 : memref<640x128xf32, #tpu.memory_space<vmem_shared>>) target(%dma_start3A_20 : memref<640x128xf32, #tpu.memory_space<hbm>>) target_semaphore(%run_scoped3A : memref<!tpu.dma_semaphore, #tpu.memory_space<semaphore_mem>>)
        %dma_wait3A = arith.constant 0 : i32
        %dma_wait3A_23 = tpu.memref_slice %arg8[%mul3A_19, %dma_wait3A] : memref<10240x128xf32, #tpu.memory_space<hbm>> -> memref<640x128xf32, #tpu.memory_space<hbm>>
        %dma_wait3A_24 = arith.constant 0 : i32
        %dma_wait3A_25 = tpu.memref_slice %arg12[%mul3A_17, %dma_wait3A_24] : memref<10240x128xf32, #tpu.memory_space<vmem_shared>> -> memref<640x128xf32, #tpu.memory_space<vmem_shared>>
        tpu.wait_dma2 semaphore(%run_scoped3A : memref<!tpu.dma_semaphore, #tpu.memory_space<semaphore_mem>>) src(%dma_wait3A_25 : memref<640x128xf32, #tpu.memory_space<vmem_shared>>) dst(%dma_wait3A_23 : memref<640x128xf32, #tpu.memory_space<hbm>>)
        tpu.yield
      }) : () -> ()
    } else {
    }
    return
  }
}

#map = affine_map<(d0, d1) -> (0)>
#map1 = affine_map<(d0, d1) -> (0, 0)>
#map2 = affine_map<(d0, d1) -> (0, 0, 0)>
module attributes {stable_mosaic.version = 14 : i64} {
  func.func @k(%arg0: i32, %arg1: i32, %arg2: memref<320000xi32, #tpu.memory_space<hbm>>, %arg3: memref<320000xi32, #tpu.memory_space<hbm>>, %arg4: memref<80x128xf32, #tpu.memory_space<hbm>>, %arg5: memref<640x128xf32, #tpu.memory_space<hbm>>, %arg6: memref<2x10240x128xf32, #tpu.memory_space<hbm>>, %arg7: memref<80xi32, #tpu.memory_space<vmem>>, %arg8: memref<80x128xf32, #tpu.memory_space<vmem>>, %arg9: memref<10240x128xf32, #tpu.memory_space<vmem_shared>>) attributes {dimension_semantics = [#tpu.dimension_semantics<core_parallel>, #tpu.dimension_semantics<subcore_parallel>], iteration_bounds = array<i64: 2, 16>, scalar_prefetch = 0 : i64, scratch_operands = 3 : i64, tpu.core_type = #tpu.core_type<sc_vector_subcore>, window_params = [{transform_indices = #map}, {transform_indices = #map}, {transform_indices = #map1}, {transform_indices = #map1}, {transform_indices = #map2}]} {
    "tpu.region"() ({
      %run_scoped3A = tpu.sem_alloc : memref<!tpu.dma_semaphore, #tpu.memory_space<semaphore_mem>>
      tpu.enqueue_dma source(%arg4 : memref<80x128xf32, #tpu.memory_space<hbm>>) target(%arg8 : memref<80x128xf32, #tpu.memory_space<vmem>>) target_semaphore(%run_scoped3A : memref<!tpu.dma_semaphore, #tpu.memory_space<semaphore_mem>>)
      tpu.wait_dma2 semaphore(%run_scoped3A : memref<!tpu.dma_semaphore, #tpu.memory_space<semaphore_mem>>) src(%arg4 : memref<80x128xf32, #tpu.memory_space<hbm>>) dst(%arg8 : memref<80x128xf32, #tpu.memory_space<vmem>>)
      tpu.yield
    }) : () -> ()
    %mul3A = arith.constant 640 : i32
    %mul3A_0 = arith.muli %arg1, %mul3A : i32
    "tpu.region"() ({
      %run_scoped3A = tpu.sem_alloc : memref<!tpu.dma_semaphore, #tpu.memory_space<semaphore_mem>>
      %dma_start3A = arith.constant 0 : i32
      %dma_start3A_13 = tpu.memref_slice %arg9[%mul3A_0, %dma_start3A] : memref<10240x128xf32, #tpu.memory_space<vmem_shared>> -> memref<640x128xf32, #tpu.memory_space<vmem_shared>>
      tpu.enqueue_dma source(%arg5 : memref<640x128xf32, #tpu.memory_space<hbm>>) target(%dma_start3A_13 : memref<640x128xf32, #tpu.memory_space<vmem_shared>>) target_semaphore(%run_scoped3A : memref<!tpu.dma_semaphore, #tpu.memory_space<semaphore_mem>>)
      %dma_wait3A = arith.constant 0 : i32
      %dma_wait3A_14 = tpu.memref_slice %arg9[%mul3A_0, %dma_wait3A] : memref<10240x128xf32, #tpu.memory_space<vmem_shared>> -> memref<640x128xf32, #tpu.memory_space<vmem_shared>>
      tpu.wait_dma2 semaphore(%run_scoped3A : memref<!tpu.dma_semaphore, #tpu.memory_space<semaphore_mem>>) src(%arg5 : memref<640x128xf32, #tpu.memory_space<hbm>>) dst(%dma_wait3A_14 : memref<640x128xf32, #tpu.memory_space<vmem_shared>>)
      tpu.yield
    }) : () -> ()
    %barrier3A = arith.constant 0 : index
    tpu.barrier barrier_id(%barrier3A)
    %eq3A = arith.constant 0 : i32
    %eq3A_1 = arith.cmpi eq, %arg0, %eq3A : i32
    %convert_element_type3A = arith.extui %eq3A_1 : i1 to i32
    %cond3A = arith.constant 0 : i32
    %cond3A_2 = arith.cmpi ne, %convert_element_type3A, %cond3A : i32
    scf.if %cond3A_2 {
      %scan3A = arith.constant 0 : i32
      %scan3A_13 = arith.constant 0 : i32
      %scan3A_14 = arith.constant 250 : i32
      %scan3A_15 = arith.addi %scan3A_13, %scan3A_14 : i32
      %scan3A_16 = arith.constant 1 : i32
      scf.for %scan3A_18 = %scan3A_13 to %scan3A_15 step %scan3A_16  : i32 {
        %mul3A_19 = arith.constant 20000 : i32
        %mul3A_20 = arith.muli %arg1, %mul3A_19 : i32
        %mul3A_21 = arith.constant 80 : i32
        %mul3A_22 = arith.muli %scan3A_18, %mul3A_21 : i32
        %add3A = arith.addi %mul3A_20, %mul3A_22 : i32
        "tpu.region"() ({
          %run_scoped3A = tpu.sem_alloc : memref<!tpu.dma_semaphore, #tpu.memory_space<semaphore_mem>>
          %dma_start3A = tpu.memref_slice %arg2[%add3A] : memref<320000xi32, #tpu.memory_space<hbm>> -> memref<80xi32, #tpu.memory_space<hbm>>
          %dma_start3A_23 = tpu.memref_slice %arg2[%add3A] : memref<320000xi32, #tpu.memory_space<hbm>> -> memref<80xi32, #tpu.memory_space<hbm>>
          tpu.enqueue_dma source(%dma_start3A_23 : memref<80xi32, #tpu.memory_space<hbm>>) target(%arg7 : memref<80xi32, #tpu.memory_space<vmem>>) target_semaphore(%run_scoped3A : memref<!tpu.dma_semaphore, #tpu.memory_space<semaphore_mem>>)
          %dma_wait3A = tpu.memref_slice %arg2[%add3A] : memref<320000xi32, #tpu.memory_space<hbm>> -> memref<80xi32, #tpu.memory_space<hbm>>
          %dma_wait3A_24 = tpu.memref_slice %arg2[%add3A] : memref<320000xi32, #tpu.memory_space<hbm>> -> memref<80xi32, #tpu.memory_space<hbm>>
          tpu.wait_dma2 semaphore(%run_scoped3A : memref<!tpu.dma_semaphore, #tpu.memory_space<semaphore_mem>>) src(%dma_wait3A_24 : memref<80xi32, #tpu.memory_space<hbm>>) dst(%arg7 : memref<80xi32, #tpu.memory_space<vmem>>)
          tpu.yield
        }) : () -> ()
        "tpu.region"() ({
          %run_scoped3A = tpu.sem_alloc : memref<!tpu.dma_semaphore, #tpu.memory_space<semaphore_mem>>
          %dma_start3A = arith.constant 0 : i32
          %dma_start3A_23 = arith.constant 0 : i32
          %dma_start3A_24 = tpu.memref_slice %arg9[%dma_start3A, %dma_start3A_23] : memref<10240x128xf32, #tpu.memory_space<vmem_shared>> -> memref<10240x128xf32, #tpu.memory_space<vmem_shared>>
          tpu.enqueue_indirect_dma source(%arg8 : memref<80x128xf32, #tpu.memory_space<vmem>>) target(%dma_start3A_24 : memref<10240x128xf32, #tpu.memory_space<vmem_shared>>) offsets(%arg7 : memref<80xi32, #tpu.memory_space<vmem>>) semaphore(%run_scoped3A : memref<!tpu.dma_semaphore, #tpu.memory_space<semaphore_mem>>) {add = true}
          %dma_wait3A = arith.constant 0 : i32
          %dma_wait3A_25 = arith.constant 0 : i32
          %dma_wait3A_26 = tpu.memref_slice %arg9[%dma_wait3A, %dma_wait3A_25] : memref<10240x128xf32, #tpu.memory_space<vmem_shared>> -> memref<10240x128xf32, #tpu.memory_space<vmem_shared>>
          tpu.wait_indirect_dma semaphore(%run_scoped3A : memref<!tpu.dma_semaphore, #tpu.memory_space<semaphore_mem>>) src(%arg8 : memref<80x128xf32, #tpu.memory_space<vmem>>) dst(%dma_wait3A_26 : memref<10240x128xf32, #tpu.memory_space<vmem_shared>>)
          tpu.yield
        }) : () -> ()
      }
      %scan3A_17 = arith.constant 250 : i32
    } else {
    }
    %eq3A_3 = arith.constant 1 : i32
    %eq3A_4 = arith.cmpi eq, %arg0, %eq3A_3 : i32
    %convert_element_type3A_5 = arith.extui %eq3A_4 : i1 to i32
    %cond3A_6 = arith.constant 0 : i32
    %cond3A_7 = arith.cmpi ne, %convert_element_type3A_5, %cond3A_6 : i32
    scf.if %cond3A_7 {
      %scan3A = arith.constant 0 : i32
      %scan3A_13 = arith.constant 0 : i32
      %scan3A_14 = arith.constant 250 : i32
      %scan3A_15 = arith.addi %scan3A_13, %scan3A_14 : i32
      %scan3A_16 = arith.constant 1 : i32
      scf.for %scan3A_18 = %scan3A_13 to %scan3A_15 step %scan3A_16  : i32 {
        %mul3A_19 = arith.constant 20000 : i32
        %mul3A_20 = arith.muli %arg1, %mul3A_19 : i32
        %mul3A_21 = arith.constant 80 : i32
        %mul3A_22 = arith.muli %scan3A_18, %mul3A_21 : i32
        %add3A = arith.addi %mul3A_20, %mul3A_22 : i32
        "tpu.region"() ({
          %run_scoped3A = tpu.sem_alloc : memref<!tpu.dma_semaphore, #tpu.memory_space<semaphore_mem>>
          %dma_start3A = tpu.memref_slice %arg3[%add3A] : memref<320000xi32, #tpu.memory_space<hbm>> -> memref<80xi32, #tpu.memory_space<hbm>>
          %dma_start3A_23 = tpu.memref_slice %arg3[%add3A] : memref<320000xi32, #tpu.memory_space<hbm>> -> memref<80xi32, #tpu.memory_space<hbm>>
          tpu.enqueue_dma source(%dma_start3A_23 : memref<80xi32, #tpu.memory_space<hbm>>) target(%arg7 : memref<80xi32, #tpu.memory_space<vmem>>) target_semaphore(%run_scoped3A : memref<!tpu.dma_semaphore, #tpu.memory_space<semaphore_mem>>)
          %dma_wait3A = tpu.memref_slice %arg3[%add3A] : memref<320000xi32, #tpu.memory_space<hbm>> -> memref<80xi32, #tpu.memory_space<hbm>>
          %dma_wait3A_24 = tpu.memref_slice %arg3[%add3A] : memref<320000xi32, #tpu.memory_space<hbm>> -> memref<80xi32, #tpu.memory_space<hbm>>
          tpu.wait_dma2 semaphore(%run_scoped3A : memref<!tpu.dma_semaphore, #tpu.memory_space<semaphore_mem>>) src(%dma_wait3A_24 : memref<80xi32, #tpu.memory_space<hbm>>) dst(%arg7 : memref<80xi32, #tpu.memory_space<vmem>>)
          tpu.yield
        }) : () -> ()
        "tpu.region"() ({
          %run_scoped3A = tpu.sem_alloc : memref<!tpu.dma_semaphore, #tpu.memory_space<semaphore_mem>>
          %dma_start3A = arith.constant 0 : i32
          %dma_start3A_23 = arith.constant 0 : i32
          %dma_start3A_24 = tpu.memref_slice %arg9[%dma_start3A, %dma_start3A_23] : memref<10240x128xf32, #tpu.memory_space<vmem_shared>> -> memref<10240x128xf32, #tpu.memory_space<vmem_shared>>
          tpu.enqueue_indirect_dma source(%arg8 : memref<80x128xf32, #tpu.memory_space<vmem>>) target(%dma_start3A_24 : memref<10240x128xf32, #tpu.memory_space<vmem_shared>>) offsets(%arg7 : memref<80xi32, #tpu.memory_space<vmem>>) semaphore(%run_scoped3A : memref<!tpu.dma_semaphore, #tpu.memory_space<semaphore_mem>>) {add = true}
          %dma_wait3A = arith.constant 0 : i32
          %dma_wait3A_25 = arith.constant 0 : i32
          %dma_wait3A_26 = tpu.memref_slice %arg9[%dma_wait3A, %dma_wait3A_25] : memref<10240x128xf32, #tpu.memory_space<vmem_shared>> -> memref<10240x128xf32, #tpu.memory_space<vmem_shared>>
          tpu.wait_indirect_dma semaphore(%run_scoped3A : memref<!tpu.dma_semaphore, #tpu.memory_space<semaphore_mem>>) src(%arg8 : memref<80x128xf32, #tpu.memory_space<vmem>>) dst(%dma_wait3A_26 : memref<10240x128xf32, #tpu.memory_space<vmem_shared>>)
          tpu.yield
        }) : () -> ()
      }
      %scan3A_17 = arith.constant 250 : i32
    } else {
    }
    %barrier3A_8 = arith.constant 0 : index
    tpu.barrier barrier_id(%barrier3A_8)
    %mul3A_9 = arith.constant 640 : i32
    %mul3A_10 = arith.muli %arg1, %mul3A_9 : i32
    %mul3A_11 = arith.constant 640 : i32
    %mul3A_12 = arith.muli %arg1, %mul3A_11 : i32
    "tpu.region"() ({
      %run_scoped3A = tpu.sem_alloc : memref<!tpu.dma_semaphore, #tpu.memory_space<semaphore_mem>>
      %dma_start3A = arith.constant 0 : i32
      %dma_start3A_13 = tpu.memref_slice %arg6[%arg0, %mul3A_12, %dma_start3A] : memref<2x10240x128xf32, #tpu.memory_space<hbm>> -> memref<1x640x128xf32, #tpu.memory_space<hbm>>
      %dma_start3A_14 = tpu.memref_squeeze %dma_start3A_13 : memref<1x640x128xf32, #tpu.memory_space<hbm>> -> memref<640x128xf32, #tpu.memory_space<hbm>>
      %dma_start3A_15 = arith.constant 0 : i32
      %dma_start3A_16 = tpu.memref_slice %arg9[%mul3A_10, %dma_start3A_15] : memref<10240x128xf32, #tpu.memory_space<vmem_shared>> -> memref<640x128xf32, #tpu.memory_space<vmem_shared>>
      tpu.enqueue_dma source(%dma_start3A_16 : memref<640x128xf32, #tpu.memory_space<vmem_shared>>) target(%dma_start3A_14 : memref<640x128xf32, #tpu.memory_space<hbm>>) target_semaphore(%run_scoped3A : memref<!tpu.dma_semaphore, #tpu.memory_space<semaphore_mem>>)
      %dma_wait3A = arith.constant 0 : i32
      %dma_wait3A_17 = tpu.memref_slice %arg6[%arg0, %mul3A_12, %dma_wait3A] : memref<2x10240x128xf32, #tpu.memory_space<hbm>> -> memref<1x640x128xf32, #tpu.memory_space<hbm>>
      %dma_wait3A_18 = tpu.memref_squeeze %dma_wait3A_17 : memref<1x640x128xf32, #tpu.memory_space<hbm>> -> memref<640x128xf32, #tpu.memory_space<hbm>>
      %dma_wait3A_19 = arith.constant 0 : i32
      %dma_wait3A_20 = tpu.memref_slice %arg9[%mul3A_10, %dma_wait3A_19] : memref<10240x128xf32, #tpu.memory_space<vmem_shared>> -> memref<640x128xf32, #tpu.memory_space<vmem_shared>>
      tpu.wait_dma2 semaphore(%run_scoped3A : memref<!tpu.dma_semaphore, #tpu.memory_space<semaphore_mem>>) src(%dma_wait3A_20 : memref<640x128xf32, #tpu.memory_space<vmem_shared>>) dst(%dma_wait3A_18 : memref<640x128xf32, #tpu.memory_space<hbm>>)
      tpu.yield
    }) : () -> ()
    return
  }
}

#map = affine_map<(d0, d1) -> (0, 0)>
#map1 = affine_map<(d0, d1) -> (0)>
module attributes {stable_mosaic.version = 14 : i64} {
  func.func @k(%arg0: i32, %arg1: i32, %arg2: memref<10240x128xf32, #tpu.memory_space<hbm>>, %arg3: memref<10240x128xf32, #tpu.memory_space<hbm>>, %arg4: memref<320000xi32, #tpu.memory_space<hbm>>, %arg5: memref<320000xi32, #tpu.memory_space<hbm>>, %arg6: memref<640x128xf32, #tpu.memory_space<hbm>>, %arg7: memref<10240x128xf32, #tpu.memory_space<hbm>>, %arg8: memref<10240x128xf32, #tpu.memory_space<hbm>>, %arg9: memref<80xi32, #tpu.memory_space<vmem>>, %arg10: memref<80xi32, #tpu.memory_space<vmem>>, %arg11: memref<80x128xf32, #tpu.memory_space<vmem>>, %arg12: memref<10240x128xf32, #tpu.memory_space<vmem_shared>>, %arg13: memref<!tpu.dma_semaphore, #tpu.memory_space<semaphore_mem>>) attributes {dimension_semantics = [#tpu.dimension_semantics<core_parallel>, #tpu.dimension_semantics<subcore_parallel>], iteration_bounds = array<i64: 2, 16>, scalar_prefetch = 0 : i64, scratch_operands = 5 : i64, tpu.core_type = #tpu.core_type<sc_vector_subcore>, window_params = [{transform_indices = #map}, {transform_indices = #map}, {transform_indices = #map1}, {transform_indices = #map1}, {transform_indices = #map}, {transform_indices = #map}, {transform_indices = #map}]} {
    %mul3A = arith.constant 640 : i32
    %mul3A_0 = arith.muli %arg1, %mul3A : i32
    "tpu.region"() ({
      %run_scoped3A = tpu.sem_alloc : memref<!tpu.dma_semaphore, #tpu.memory_space<semaphore_mem>>
      %dma_start3A = arith.constant 0 : i32
      %dma_start3A_8 = tpu.memref_slice %arg12[%mul3A_0, %dma_start3A] : memref<10240x128xf32, #tpu.memory_space<vmem_shared>> -> memref<640x128xf32, #tpu.memory_space<vmem_shared>>
      tpu.enqueue_dma source(%arg6 : memref<640x128xf32, #tpu.memory_space<hbm>>) target(%dma_start3A_8 : memref<640x128xf32, #tpu.memory_space<vmem_shared>>) target_semaphore(%run_scoped3A : memref<!tpu.dma_semaphore, #tpu.memory_space<semaphore_mem>>)
      %dma_wait3A = arith.constant 0 : i32
      %dma_wait3A_9 = tpu.memref_slice %arg12[%mul3A_0, %dma_wait3A] : memref<10240x128xf32, #tpu.memory_space<vmem_shared>> -> memref<640x128xf32, #tpu.memory_space<vmem_shared>>
      tpu.wait_dma2 semaphore(%run_scoped3A : memref<!tpu.dma_semaphore, #tpu.memory_space<semaphore_mem>>) src(%arg6 : memref<640x128xf32, #tpu.memory_space<hbm>>) dst(%dma_wait3A_9 : memref<640x128xf32, #tpu.memory_space<vmem_shared>>)
      tpu.yield
    }) : () -> ()
    %barrier3A = arith.constant 0 : index
    tpu.barrier barrier_id(%barrier3A)
    %eq3A = arith.constant 0 : i32
    %eq3A_1 = arith.cmpi eq, %arg0, %eq3A : i32
    %convert_element_type3A = arith.extui %eq3A_1 : i1 to i32
    %cond3A = arith.constant 0 : i32
    %cond3A_2 = arith.cmpi ne, %convert_element_type3A, %cond3A : i32
    scf.if %cond3A_2 {
      %mul3A_8 = arith.constant 10000 : i32
      %mul3A_9 = arith.muli %arg1, %mul3A_8 : i32
      %scan3A = arith.constant 0 : i32
      %scan3A_10 = arith.constant 0 : i32
      %scan3A_11 = arith.constant 125 : i32
      %scan3A_12 = arith.addi %scan3A_10, %scan3A_11 : i32
      %scan3A_13 = arith.constant 1 : i32
      scf.for %scan3A_20 = %scan3A_10 to %scan3A_12 step %scan3A_13  : i32 {
        %mul3A_21 = arith.constant 80 : i32
        %mul3A_22 = arith.muli %scan3A_20, %mul3A_21 : i32
        %add3A = arith.addi %mul3A_9, %mul3A_22 : i32
        "tpu.region"() ({
          %run_scoped3A = tpu.sem_alloc : memref<!tpu.dma_semaphore, #tpu.memory_space<semaphore_mem>>
          %dma_start3A_27 = tpu.memref_slice %arg4[%add3A] : memref<320000xi32, #tpu.memory_space<hbm>> -> memref<80xi32, #tpu.memory_space<hbm>>
          %dma_start3A_28 = tpu.memref_slice %arg4[%add3A] : memref<320000xi32, #tpu.memory_space<hbm>> -> memref<80xi32, #tpu.memory_space<hbm>>
          tpu.enqueue_dma source(%dma_start3A_28 : memref<80xi32, #tpu.memory_space<hbm>>) target(%arg9 : memref<80xi32, #tpu.memory_space<vmem>>) target_semaphore(%run_scoped3A : memref<!tpu.dma_semaphore, #tpu.memory_space<semaphore_mem>>)
          %dma_wait3A_29 = tpu.memref_slice %arg4[%add3A] : memref<320000xi32, #tpu.memory_space<hbm>> -> memref<80xi32, #tpu.memory_space<hbm>>
          %dma_wait3A_30 = tpu.memref_slice %arg4[%add3A] : memref<320000xi32, #tpu.memory_space<hbm>> -> memref<80xi32, #tpu.memory_space<hbm>>
          tpu.wait_dma2 semaphore(%run_scoped3A : memref<!tpu.dma_semaphore, #tpu.memory_space<semaphore_mem>>) src(%dma_wait3A_30 : memref<80xi32, #tpu.memory_space<hbm>>) dst(%arg9 : memref<80xi32, #tpu.memory_space<vmem>>)
          tpu.yield
        }) : () -> ()
        "tpu.region"() ({
          %run_scoped3A = tpu.sem_alloc : memref<!tpu.dma_semaphore, #tpu.memory_space<semaphore_mem>>
          %dma_start3A_27 = tpu.memref_slice %arg5[%add3A] : memref<320000xi32, #tpu.memory_space<hbm>> -> memref<80xi32, #tpu.memory_space<hbm>>
          %dma_start3A_28 = tpu.memref_slice %arg5[%add3A] : memref<320000xi32, #tpu.memory_space<hbm>> -> memref<80xi32, #tpu.memory_space<hbm>>
          tpu.enqueue_dma source(%dma_start3A_28 : memref<80xi32, #tpu.memory_space<hbm>>) target(%arg10 : memref<80xi32, #tpu.memory_space<vmem>>) target_semaphore(%run_scoped3A : memref<!tpu.dma_semaphore, #tpu.memory_space<semaphore_mem>>)
          %dma_wait3A_29 = tpu.memref_slice %arg5[%add3A] : memref<320000xi32, #tpu.memory_space<hbm>> -> memref<80xi32, #tpu.memory_space<hbm>>
          %dma_wait3A_30 = tpu.memref_slice %arg5[%add3A] : memref<320000xi32, #tpu.memory_space<hbm>> -> memref<80xi32, #tpu.memory_space<hbm>>
          tpu.wait_dma2 semaphore(%run_scoped3A : memref<!tpu.dma_semaphore, #tpu.memory_space<semaphore_mem>>) src(%dma_wait3A_30 : memref<80xi32, #tpu.memory_space<hbm>>) dst(%arg10 : memref<80xi32, #tpu.memory_space<vmem>>)
          tpu.yield
        }) : () -> ()
        %dma_start3A = arith.constant 0 : i32
        %dma_start3A_23 = arith.constant 0 : i32
        %dma_start3A_24 = tpu.memref_slice %arg2[%dma_start3A, %dma_start3A_23] : memref<10240x128xf32, #tpu.memory_space<hbm>> -> memref<10240x128xf32, #tpu.memory_space<hbm>>
        tpu.enqueue_indirect_dma source(%dma_start3A_24 : memref<10240x128xf32, #tpu.memory_space<hbm>>) target(%arg11 : memref<80x128xf32, #tpu.memory_space<vmem>>) offsets(%arg9 : memref<80xi32, #tpu.memory_space<vmem>>) semaphore(%arg13 : memref<!tpu.dma_semaphore, #tpu.memory_space<semaphore_mem>>)
        %dma_wait3A = arith.constant 0 : i32
        %dma_wait3A_25 = arith.constant 0 : i32
        %dma_wait3A_26 = tpu.memref_slice %arg2[%dma_wait3A, %dma_wait3A_25] : memref<10240x128xf32, #tpu.memory_space<hbm>> -> memref<10240x128xf32, #tpu.memory_space<hbm>>
        tpu.wait_indirect_dma semaphore(%arg13 : memref<!tpu.dma_semaphore, #tpu.memory_space<semaphore_mem>>) src(%dma_wait3A_26 : memref<10240x128xf32, #tpu.memory_space<hbm>>) dst(%arg11 : memref<80x128xf32, #tpu.memory_space<vmem>>)
        "tpu.region"() ({
          %run_scoped3A = tpu.sem_alloc : memref<!tpu.dma_semaphore, #tpu.memory_space<semaphore_mem>>
          %dma_start3A_27 = arith.constant 0 : i32
          %dma_start3A_28 = arith.constant 0 : i32
          %dma_start3A_29 = tpu.memref_slice %arg12[%dma_start3A_27, %dma_start3A_28] : memref<10240x128xf32, #tpu.memory_space<vmem_shared>> -> memref<10240x128xf32, #tpu.memory_space<vmem_shared>>
          tpu.enqueue_indirect_dma source(%arg11 : memref<80x128xf32, #tpu.memory_space<vmem>>) target(%dma_start3A_29 : memref<10240x128xf32, #tpu.memory_space<vmem_shared>>) offsets(%arg10 : memref<80xi32, #tpu.memory_space<vmem>>) semaphore(%run_scoped3A : memref<!tpu.dma_semaphore, #tpu.memory_space<semaphore_mem>>) {add = true}
          %dma_wait3A_30 = arith.constant 0 : i32
          %dma_wait3A_31 = arith.constant 0 : i32
          %dma_wait3A_32 = tpu.memref_slice %arg12[%dma_wait3A_30, %dma_wait3A_31] : memref<10240x128xf32, #tpu.memory_space<vmem_shared>> -> memref<10240x128xf32, #tpu.memory_space<vmem_shared>>
          tpu.wait_indirect_dma semaphore(%run_scoped3A : memref<!tpu.dma_semaphore, #tpu.memory_space<semaphore_mem>>) src(%arg11 : memref<80x128xf32, #tpu.memory_space<vmem>>) dst(%dma_wait3A_32 : memref<10240x128xf32, #tpu.memory_space<vmem_shared>>)
          tpu.yield
        }) : () -> ()
      }
      %scan3A_14 = arith.constant 125 : i32
      %barrier3A_15 = arith.constant 0 : index
      tpu.barrier barrier_id(%barrier3A_15)
      %mul3A_16 = arith.constant 640 : i32
      %mul3A_17 = arith.muli %arg1, %mul3A_16 : i32
      %mul3A_18 = arith.constant 640 : i32
      %mul3A_19 = arith.muli %arg1, %mul3A_18 : i32
      "tpu.region"() ({
        %run_scoped3A = tpu.sem_alloc : memref<!tpu.dma_semaphore, #tpu.memory_space<semaphore_mem>>
        %dma_start3A = arith.constant 0 : i32
        %dma_start3A_20 = tpu.memref_slice %arg7[%mul3A_19, %dma_start3A] : memref<10240x128xf32, #tpu.memory_space<hbm>> -> memref<640x128xf32, #tpu.memory_space<hbm>>
        %dma_start3A_21 = arith.constant 0 : i32
        %dma_start3A_22 = tpu.memref_slice %arg12[%mul3A_17, %dma_start3A_21] : memref<10240x128xf32, #tpu.memory_space<vmem_shared>> -> memref<640x128xf32, #tpu.memory_space<vmem_shared>>
        tpu.enqueue_dma source(%dma_start3A_22 : memref<640x128xf32, #tpu.memory_space<vmem_shared>>) target(%dma_start3A_20 : memref<640x128xf32, #tpu.memory_space<hbm>>) target_semaphore(%run_scoped3A : memref<!tpu.dma_semaphore, #tpu.memory_space<semaphore_mem>>)
        %dma_wait3A = arith.constant 0 : i32
        %dma_wait3A_23 = tpu.memref_slice %arg7[%mul3A_19, %dma_wait3A] : memref<10240x128xf32, #tpu.memory_space<hbm>> -> memref<640x128xf32, #tpu.memory_space<hbm>>
        %dma_wait3A_24 = arith.constant 0 : i32
        %dma_wait3A_25 = tpu.memref_slice %arg12[%mul3A_17, %dma_wait3A_24] : memref<10240x128xf32, #tpu.memory_space<vmem_shared>> -> memref<640x128xf32, #tpu.memory_space<vmem_shared>>
        tpu.wait_dma2 semaphore(%run_scoped3A : memref<!tpu.dma_semaphore, #tpu.memory_space<semaphore_mem>>) src(%dma_wait3A_25 : memref<640x128xf32, #tpu.memory_space<vmem_shared>>) dst(%dma_wait3A_23 : memref<640x128xf32, #tpu.memory_space<hbm>>)
        tpu.yield
      }) : () -> ()
    } else {
    }
    %eq3A_3 = arith.constant 1 : i32
    %eq3A_4 = arith.cmpi eq, %arg0, %eq3A_3 : i32
    %convert_element_type3A_5 = arith.extui %eq3A_4 : i1 to i32
    %cond3A_6 = arith.constant 0 : i32
    %cond3A_7 = arith.cmpi ne, %convert_element_type3A_5, %cond3A_6 : i32
    scf.if %cond3A_7 {
      %add3A = arith.constant 16 : i32
      %add3A_8 = arith.addi %add3A, %arg1 : i32
      %mul3A_9 = arith.constant 10000 : i32
      %mul3A_10 = arith.muli %add3A_8, %mul3A_9 : i32
      %scan3A = arith.constant 0 : i32
      %scan3A_11 = arith.constant 0 : i32
      %scan3A_12 = arith.constant 125 : i32
      %scan3A_13 = arith.addi %scan3A_11, %scan3A_12 : i32
      %scan3A_14 = arith.constant 1 : i32
      scf.for %scan3A_21 = %scan3A_11 to %scan3A_13 step %scan3A_14  : i32 {
        %mul3A_22 = arith.constant 80 : i32
        %mul3A_23 = arith.muli %scan3A_21, %mul3A_22 : i32
        %add3A_24 = arith.addi %mul3A_10, %mul3A_23 : i32
        "tpu.region"() ({
          %run_scoped3A = tpu.sem_alloc : memref<!tpu.dma_semaphore, #tpu.memory_space<semaphore_mem>>
          %dma_start3A_29 = tpu.memref_slice %arg4[%add3A_24] : memref<320000xi32, #tpu.memory_space<hbm>> -> memref<80xi32, #tpu.memory_space<hbm>>
          %dma_start3A_30 = tpu.memref_slice %arg4[%add3A_24] : memref<320000xi32, #tpu.memory_space<hbm>> -> memref<80xi32, #tpu.memory_space<hbm>>
          tpu.enqueue_dma source(%dma_start3A_30 : memref<80xi32, #tpu.memory_space<hbm>>) target(%arg9 : memref<80xi32, #tpu.memory_space<vmem>>) target_semaphore(%run_scoped3A : memref<!tpu.dma_semaphore, #tpu.memory_space<semaphore_mem>>)
          %dma_wait3A_31 = tpu.memref_slice %arg4[%add3A_24] : memref<320000xi32, #tpu.memory_space<hbm>> -> memref<80xi32, #tpu.memory_space<hbm>>
          %dma_wait3A_32 = tpu.memref_slice %arg4[%add3A_24] : memref<320000xi32, #tpu.memory_space<hbm>> -> memref<80xi32, #tpu.memory_space<hbm>>
          tpu.wait_dma2 semaphore(%run_scoped3A : memref<!tpu.dma_semaphore, #tpu.memory_space<semaphore_mem>>) src(%dma_wait3A_32 : memref<80xi32, #tpu.memory_space<hbm>>) dst(%arg9 : memref<80xi32, #tpu.memory_space<vmem>>)
          tpu.yield
        }) : () -> ()
        "tpu.region"() ({
          %run_scoped3A = tpu.sem_alloc : memref<!tpu.dma_semaphore, #tpu.memory_space<semaphore_mem>>
          %dma_start3A_29 = tpu.memref_slice %arg5[%add3A_24] : memref<320000xi32, #tpu.memory_space<hbm>> -> memref<80xi32, #tpu.memory_space<hbm>>
          %dma_start3A_30 = tpu.memref_slice %arg5[%add3A_24] : memref<320000xi32, #tpu.memory_space<hbm>> -> memref<80xi32, #tpu.memory_space<hbm>>
          tpu.enqueue_dma source(%dma_start3A_30 : memref<80xi32, #tpu.memory_space<hbm>>) target(%arg10 : memref<80xi32, #tpu.memory_space<vmem>>) target_semaphore(%run_scoped3A : memref<!tpu.dma_semaphore, #tpu.memory_space<semaphore_mem>>)
          %dma_wait3A_31 = tpu.memref_slice %arg5[%add3A_24] : memref<320000xi32, #tpu.memory_space<hbm>> -> memref<80xi32, #tpu.memory_space<hbm>>
          %dma_wait3A_32 = tpu.memref_slice %arg5[%add3A_24] : memref<320000xi32, #tpu.memory_space<hbm>> -> memref<80xi32, #tpu.memory_space<hbm>>
          tpu.wait_dma2 semaphore(%run_scoped3A : memref<!tpu.dma_semaphore, #tpu.memory_space<semaphore_mem>>) src(%dma_wait3A_32 : memref<80xi32, #tpu.memory_space<hbm>>) dst(%arg10 : memref<80xi32, #tpu.memory_space<vmem>>)
          tpu.yield
        }) : () -> ()
        %dma_start3A = arith.constant 0 : i32
        %dma_start3A_25 = arith.constant 0 : i32
        %dma_start3A_26 = tpu.memref_slice %arg3[%dma_start3A, %dma_start3A_25] : memref<10240x128xf32, #tpu.memory_space<hbm>> -> memref<10240x128xf32, #tpu.memory_space<hbm>>
        tpu.enqueue_indirect_dma source(%dma_start3A_26 : memref<10240x128xf32, #tpu.memory_space<hbm>>) target(%arg11 : memref<80x128xf32, #tpu.memory_space<vmem>>) offsets(%arg9 : memref<80xi32, #tpu.memory_space<vmem>>) semaphore(%arg13 : memref<!tpu.dma_semaphore, #tpu.memory_space<semaphore_mem>>)
        %dma_wait3A = arith.constant 0 : i32
        %dma_wait3A_27 = arith.constant 0 : i32
        %dma_wait3A_28 = tpu.memref_slice %arg3[%dma_wait3A, %dma_wait3A_27] : memref<10240x128xf32, #tpu.memory_space<hbm>> -> memref<10240x128xf32, #tpu.memory_space<hbm>>
        tpu.wait_indirect_dma semaphore(%arg13 : memref<!tpu.dma_semaphore, #tpu.memory_space<semaphore_mem>>) src(%dma_wait3A_28 : memref<10240x128xf32, #tpu.memory_space<hbm>>) dst(%arg11 : memref<80x128xf32, #tpu.memory_space<vmem>>)
        "tpu.region"() ({
          %run_scoped3A = tpu.sem_alloc : memref<!tpu.dma_semaphore, #tpu.memory_space<semaphore_mem>>
          %dma_start3A_29 = arith.constant 0 : i32
          %dma_start3A_30 = arith.constant 0 : i32
          %dma_start3A_31 = tpu.memref_slice %arg12[%dma_start3A_29, %dma_start3A_30] : memref<10240x128xf32, #tpu.memory_space<vmem_shared>> -> memref<10240x128xf32, #tpu.memory_space<vmem_shared>>
          tpu.enqueue_indirect_dma source(%arg11 : memref<80x128xf32, #tpu.memory_space<vmem>>) target(%dma_start3A_31 : memref<10240x128xf32, #tpu.memory_space<vmem_shared>>) offsets(%arg10 : memref<80xi32, #tpu.memory_space<vmem>>) semaphore(%run_scoped3A : memref<!tpu.dma_semaphore, #tpu.memory_space<semaphore_mem>>) {add = true}
          %dma_wait3A_32 = arith.constant 0 : i32
          %dma_wait3A_33 = arith.constant 0 : i32
          %dma_wait3A_34 = tpu.memref_slice %arg12[%dma_wait3A_32, %dma_wait3A_33] : memref<10240x128xf32, #tpu.memory_space<vmem_shared>> -> memref<10240x128xf32, #tpu.memory_space<vmem_shared>>
          tpu.wait_indirect_dma semaphore(%run_scoped3A : memref<!tpu.dma_semaphore, #tpu.memory_space<semaphore_mem>>) src(%arg11 : memref<80x128xf32, #tpu.memory_space<vmem>>) dst(%dma_wait3A_34 : memref<10240x128xf32, #tpu.memory_space<vmem_shared>>)
          tpu.yield
        }) : () -> ()
      }
      %scan3A_15 = arith.constant 125 : i32
      %barrier3A_16 = arith.constant 0 : index
      tpu.barrier barrier_id(%barrier3A_16)
      %mul3A_17 = arith.constant 640 : i32
      %mul3A_18 = arith.muli %arg1, %mul3A_17 : i32
      %mul3A_19 = arith.constant 640 : i32
      %mul3A_20 = arith.muli %arg1, %mul3A_19 : i32
      "tpu.region"() ({
        %run_scoped3A = tpu.sem_alloc : memref<!tpu.dma_semaphore, #tpu.memory_space<semaphore_mem>>
        %dma_start3A = arith.constant 0 : i32
        %dma_start3A_21 = tpu.memref_slice %arg8[%mul3A_20, %dma_start3A] : memref<10240x128xf32, #tpu.memory_space<hbm>> -> memref<640x128xf32, #tpu.memory_space<hbm>>
        %dma_start3A_22 = arith.constant 0 : i32
        %dma_start3A_23 = tpu.memref_slice %arg12[%mul3A_18, %dma_start3A_22] : memref<10240x128xf32, #tpu.memory_space<vmem_shared>> -> memref<640x128xf32, #tpu.memory_space<vmem_shared>>
        tpu.enqueue_dma source(%dma_start3A_23 : memref<640x128xf32, #tpu.memory_space<vmem_shared>>) target(%dma_start3A_21 : memref<640x128xf32, #tpu.memory_space<hbm>>) target_semaphore(%run_scoped3A : memref<!tpu.dma_semaphore, #tpu.memory_space<semaphore_mem>>)
        %dma_wait3A = arith.constant 0 : i32
        %dma_wait3A_24 = tpu.memref_slice %arg8[%mul3A_20, %dma_wait3A] : memref<10240x128xf32, #tpu.memory_space<hbm>> -> memref<640x128xf32, #tpu.memory_space<hbm>>
        %dma_wait3A_25 = arith.constant 0 : i32
        %dma_wait3A_26 = tpu.memref_slice %arg12[%mul3A_18, %dma_wait3A_25] : memref<10240x128xf32, #tpu.memory_space<vmem_shared>> -> memref<640x128xf32, #tpu.memory_space<vmem_shared>>
        tpu.wait_dma2 semaphore(%run_scoped3A : memref<!tpu.dma_semaphore, #tpu.memory_space<semaphore_mem>>) src(%dma_wait3A_26 : memref<640x128xf32, #tpu.memory_space<vmem_shared>>) dst(%dma_wait3A_24 : memref<640x128xf32, #tpu.memory_space<hbm>>)
        tpu.yield
      }) : () -> ()
    } else {
    }
    return
  }
}

#map = affine_map<(d0, d1) -> (0, 0)>
#map1 = affine_map<(d0, d1) -> (0)>
module attributes {stable_mosaic.version = 14 : i64} {
  func.func @k(%arg0: i32, %arg1: i32, %arg2: memref<10240x128xf32, #tpu.memory_space<hbm>>, %arg3: memref<10240x128xf32, #tpu.memory_space<hbm>>, %arg4: memref<320000xi32, #tpu.memory_space<hbm>>, %arg5: memref<320000xi32, #tpu.memory_space<hbm>>, %arg6: memref<640x128xf32, #tpu.memory_space<hbm>>, %arg7: memref<10240x128xf32, #tpu.memory_space<hbm>>, %arg8: memref<10240x128xf32, #tpu.memory_space<hbm>>, %arg9: memref<80xi32, #tpu.memory_space<vmem>>, %arg10: memref<80xi32, #tpu.memory_space<vmem>>, %arg11: memref<80x128xf32, #tpu.memory_space<vmem>>, %arg12: memref<10240x128xf32, #tpu.memory_space<vmem_shared>>, %arg13: memref<!tpu.dma_semaphore, #tpu.memory_space<semaphore_mem>>) attributes {dimension_semantics = [#tpu.dimension_semantics<core_parallel>, #tpu.dimension_semantics<subcore_parallel>], iteration_bounds = array<i64: 2, 16>, scalar_prefetch = 0 : i64, scratch_operands = 5 : i64, tpu.core_type = #tpu.core_type<sc_vector_subcore>, window_params = [{transform_indices = #map}, {transform_indices = #map}, {transform_indices = #map1}, {transform_indices = #map1}, {transform_indices = #map}, {transform_indices = #map}, {transform_indices = #map}]} {
    %mul3A = arith.constant 640 : i32
    %mul3A_0 = arith.muli %arg1, %mul3A : i32
    "tpu.region"() ({
      %run_scoped3A = tpu.sem_alloc : memref<!tpu.dma_semaphore, #tpu.memory_space<semaphore_mem>>
      %dma_start3A = arith.constant 0 : i32
      %dma_start3A_8 = tpu.memref_slice %arg12[%mul3A_0, %dma_start3A] : memref<10240x128xf32, #tpu.memory_space<vmem_shared>> -> memref<640x128xf32, #tpu.memory_space<vmem_shared>>
      tpu.enqueue_dma source(%arg6 : memref<640x128xf32, #tpu.memory_space<hbm>>) target(%dma_start3A_8 : memref<640x128xf32, #tpu.memory_space<vmem_shared>>) target_semaphore(%run_scoped3A : memref<!tpu.dma_semaphore, #tpu.memory_space<semaphore_mem>>)
      %dma_wait3A = arith.constant 0 : i32
      %dma_wait3A_9 = tpu.memref_slice %arg12[%mul3A_0, %dma_wait3A] : memref<10240x128xf32, #tpu.memory_space<vmem_shared>> -> memref<640x128xf32, #tpu.memory_space<vmem_shared>>
      tpu.wait_dma2 semaphore(%run_scoped3A : memref<!tpu.dma_semaphore, #tpu.memory_space<semaphore_mem>>) src(%arg6 : memref<640x128xf32, #tpu.memory_space<hbm>>) dst(%dma_wait3A_9 : memref<640x128xf32, #tpu.memory_space<vmem_shared>>)
      tpu.yield
    }) : () -> ()
    %barrier3A = arith.constant 0 : index
    tpu.barrier barrier_id(%barrier3A)
    %eq3A = arith.constant 0 : i32
    %eq3A_1 = arith.cmpi eq, %arg0, %eq3A : i32
    %convert_element_type3A = arith.extui %eq3A_1 : i1 to i32
    %cond3A = arith.constant 0 : i32
    %cond3A_2 = arith.cmpi ne, %convert_element_type3A, %cond3A : i32
    scf.if %cond3A_2 {
      %mul3A_8 = arith.constant 10000 : i32
      %mul3A_9 = arith.muli %arg1, %mul3A_8 : i32
      %scan3A = arith.constant 0 : i32
      %scan3A_10 = arith.constant 0 : i32
      %scan3A_11 = arith.constant 125 : i32
      %scan3A_12 = arith.addi %scan3A_10, %scan3A_11 : i32
      %scan3A_13 = arith.constant 1 : i32
      scf.for %scan3A_20 = %scan3A_10 to %scan3A_12 step %scan3A_13  : i32 {
        %mul3A_21 = arith.constant 80 : i32
        %mul3A_22 = arith.muli %scan3A_20, %mul3A_21 : i32
        %add3A = arith.addi %mul3A_9, %mul3A_22 : i32
        "tpu.region"() ({
          %run_scoped3A = tpu.sem_alloc : memref<!tpu.dma_semaphore, #tpu.memory_space<semaphore_mem>>
          %dma_start3A_27 = tpu.memref_slice %arg4[%add3A] : memref<320000xi32, #tpu.memory_space<hbm>> -> memref<80xi32, #tpu.memory_space<hbm>>
          %dma_start3A_28 = tpu.memref_slice %arg4[%add3A] : memref<320000xi32, #tpu.memory_space<hbm>> -> memref<80xi32, #tpu.memory_space<hbm>>
          tpu.enqueue_dma source(%dma_start3A_28 : memref<80xi32, #tpu.memory_space<hbm>>) target(%arg9 : memref<80xi32, #tpu.memory_space<vmem>>) target_semaphore(%run_scoped3A : memref<!tpu.dma_semaphore, #tpu.memory_space<semaphore_mem>>)
          %dma_wait3A_29 = tpu.memref_slice %arg4[%add3A] : memref<320000xi32, #tpu.memory_space<hbm>> -> memref<80xi32, #tpu.memory_space<hbm>>
          %dma_wait3A_30 = tpu.memref_slice %arg4[%add3A] : memref<320000xi32, #tpu.memory_space<hbm>> -> memref<80xi32, #tpu.memory_space<hbm>>
          tpu.wait_dma2 semaphore(%run_scoped3A : memref<!tpu.dma_semaphore, #tpu.memory_space<semaphore_mem>>) src(%dma_wait3A_30 : memref<80xi32, #tpu.memory_space<hbm>>) dst(%arg9 : memref<80xi32, #tpu.memory_space<vmem>>)
          tpu.yield
        }) : () -> ()
        "tpu.region"() ({
          %run_scoped3A = tpu.sem_alloc : memref<!tpu.dma_semaphore, #tpu.memory_space<semaphore_mem>>
          %dma_start3A_27 = tpu.memref_slice %arg5[%add3A] : memref<320000xi32, #tpu.memory_space<hbm>> -> memref<80xi32, #tpu.memory_space<hbm>>
          %dma_start3A_28 = tpu.memref_slice %arg5[%add3A] : memref<320000xi32, #tpu.memory_space<hbm>> -> memref<80xi32, #tpu.memory_space<hbm>>
          tpu.enqueue_dma source(%dma_start3A_28 : memref<80xi32, #tpu.memory_space<hbm>>) target(%arg10 : memref<80xi32, #tpu.memory_space<vmem>>) target_semaphore(%run_scoped3A : memref<!tpu.dma_semaphore, #tpu.memory_space<semaphore_mem>>)
          %dma_wait3A_29 = tpu.memref_slice %arg5[%add3A] : memref<320000xi32, #tpu.memory_space<hbm>> -> memref<80xi32, #tpu.memory_space<hbm>>
          %dma_wait3A_30 = tpu.memref_slice %arg5[%add3A] : memref<320000xi32, #tpu.memory_space<hbm>> -> memref<80xi32, #tpu.memory_space<hbm>>
          tpu.wait_dma2 semaphore(%run_scoped3A : memref<!tpu.dma_semaphore, #tpu.memory_space<semaphore_mem>>) src(%dma_wait3A_30 : memref<80xi32, #tpu.memory_space<hbm>>) dst(%arg10 : memref<80xi32, #tpu.memory_space<vmem>>)
          tpu.yield
        }) : () -> ()
        %dma_start3A = arith.constant 0 : i32
        %dma_start3A_23 = arith.constant 0 : i32
        %dma_start3A_24 = tpu.memref_slice %arg2[%dma_start3A, %dma_start3A_23] : memref<10240x128xf32, #tpu.memory_space<hbm>> -> memref<10240x128xf32, #tpu.memory_space<hbm>>
        tpu.enqueue_indirect_dma source(%dma_start3A_24 : memref<10240x128xf32, #tpu.memory_space<hbm>>) target(%arg11 : memref<80x128xf32, #tpu.memory_space<vmem>>) offsets(%arg9 : memref<80xi32, #tpu.memory_space<vmem>>) semaphore(%arg13 : memref<!tpu.dma_semaphore, #tpu.memory_space<semaphore_mem>>)
        %dma_wait3A = arith.constant 0 : i32
        %dma_wait3A_25 = arith.constant 0 : i32
        %dma_wait3A_26 = tpu.memref_slice %arg2[%dma_wait3A, %dma_wait3A_25] : memref<10240x128xf32, #tpu.memory_space<hbm>> -> memref<10240x128xf32, #tpu.memory_space<hbm>>
        tpu.wait_indirect_dma semaphore(%arg13 : memref<!tpu.dma_semaphore, #tpu.memory_space<semaphore_mem>>) src(%dma_wait3A_26 : memref<10240x128xf32, #tpu.memory_space<hbm>>) dst(%arg11 : memref<80x128xf32, #tpu.memory_space<vmem>>)
        "tpu.region"() ({
          %run_scoped3A = tpu.sem_alloc : memref<!tpu.dma_semaphore, #tpu.memory_space<semaphore_mem>>
          %dma_start3A_27 = arith.constant 0 : i32
          %dma_start3A_28 = arith.constant 0 : i32
          %dma_start3A_29 = tpu.memref_slice %arg12[%dma_start3A_27, %dma_start3A_28] : memref<10240x128xf32, #tpu.memory_space<vmem_shared>> -> memref<10240x128xf32, #tpu.memory_space<vmem_shared>>
          tpu.enqueue_indirect_dma source(%arg11 : memref<80x128xf32, #tpu.memory_space<vmem>>) target(%dma_start3A_29 : memref<10240x128xf32, #tpu.memory_space<vmem_shared>>) offsets(%arg10 : memref<80xi32, #tpu.memory_space<vmem>>) semaphore(%run_scoped3A : memref<!tpu.dma_semaphore, #tpu.memory_space<semaphore_mem>>) {add = true}
          %dma_wait3A_30 = arith.constant 0 : i32
          %dma_wait3A_31 = arith.constant 0 : i32
          %dma_wait3A_32 = tpu.memref_slice %arg12[%dma_wait3A_30, %dma_wait3A_31] : memref<10240x128xf32, #tpu.memory_space<vmem_shared>> -> memref<10240x128xf32, #tpu.memory_space<vmem_shared>>
          tpu.wait_indirect_dma semaphore(%run_scoped3A : memref<!tpu.dma_semaphore, #tpu.memory_space<semaphore_mem>>) src(%arg11 : memref<80x128xf32, #tpu.memory_space<vmem>>) dst(%dma_wait3A_32 : memref<10240x128xf32, #tpu.memory_space<vmem_shared>>)
          tpu.yield
        }) : () -> ()
      }
      %scan3A_14 = arith.constant 125 : i32
      %barrier3A_15 = arith.constant 0 : index
      tpu.barrier barrier_id(%barrier3A_15)
      %mul3A_16 = arith.constant 640 : i32
      %mul3A_17 = arith.muli %arg1, %mul3A_16 : i32
      %mul3A_18 = arith.constant 640 : i32
      %mul3A_19 = arith.muli %arg1, %mul3A_18 : i32
      "tpu.region"() ({
        %run_scoped3A = tpu.sem_alloc : memref<!tpu.dma_semaphore, #tpu.memory_space<semaphore_mem>>
        %dma_start3A = arith.constant 0 : i32
        %dma_start3A_20 = tpu.memref_slice %arg7[%mul3A_19, %dma_start3A] : memref<10240x128xf32, #tpu.memory_space<hbm>> -> memref<640x128xf32, #tpu.memory_space<hbm>>
        %dma_start3A_21 = arith.constant 0 : i32
        %dma_start3A_22 = tpu.memref_slice %arg12[%mul3A_17, %dma_start3A_21] : memref<10240x128xf32, #tpu.memory_space<vmem_shared>> -> memref<640x128xf32, #tpu.memory_space<vmem_shared>>
        tpu.enqueue_dma source(%dma_start3A_22 : memref<640x128xf32, #tpu.memory_space<vmem_shared>>) target(%dma_start3A_20 : memref<640x128xf32, #tpu.memory_space<hbm>>) target_semaphore(%run_scoped3A : memref<!tpu.dma_semaphore, #tpu.memory_space<semaphore_mem>>)
        %dma_wait3A = arith.constant 0 : i32
        %dma_wait3A_23 = tpu.memref_slice %arg7[%mul3A_19, %dma_wait3A] : memref<10240x128xf32, #tpu.memory_space<hbm>> -> memref<640x128xf32, #tpu.memory_space<hbm>>
        %dma_wait3A_24 = arith.constant 0 : i32
        %dma_wait3A_25 = tpu.memref_slice %arg12[%mul3A_17, %dma_wait3A_24] : memref<10240x128xf32, #tpu.memory_space<vmem_shared>> -> memref<640x128xf32, #tpu.memory_space<vmem_shared>>
        tpu.wait_dma2 semaphore(%run_scoped3A : memref<!tpu.dma_semaphore, #tpu.memory_space<semaphore_mem>>) src(%dma_wait3A_25 : memref<640x128xf32, #tpu.memory_space<vmem_shared>>) dst(%dma_wait3A_23 : memref<640x128xf32, #tpu.memory_space<hbm>>)
        tpu.yield
      }) : () -> ()
    } else {
    }
    %eq3A_3 = arith.constant 1 : i32
    %eq3A_4 = arith.cmpi eq, %arg0, %eq3A_3 : i32
    %convert_element_type3A_5 = arith.extui %eq3A_4 : i1 to i32
    %cond3A_6 = arith.constant 0 : i32
    %cond3A_7 = arith.cmpi ne, %convert_element_type3A_5, %cond3A_6 : i32
    scf.if %cond3A_7 {
      %add3A = arith.constant 16 : i32
      %add3A_8 = arith.addi %add3A, %arg1 : i32
      %mul3A_9 = arith.constant 10000 : i32
      %mul3A_10 = arith.muli %add3A_8, %mul3A_9 : i32
      %scan3A = arith.constant 0 : i32
      %scan3A_11 = arith.constant 0 : i32
      %scan3A_12 = arith.constant 125 : i32
      %scan3A_13 = arith.addi %scan3A_11, %scan3A_12 : i32
      %scan3A_14 = arith.constant 1 : i32
      scf.for %scan3A_21 = %scan3A_11 to %scan3A_13 step %scan3A_14  : i32 {
        %mul3A_22 = arith.constant 80 : i32
        %mul3A_23 = arith.muli %scan3A_21, %mul3A_22 : i32
        %add3A_24 = arith.addi %mul3A_10, %mul3A_23 : i32
        "tpu.region"() ({
          %run_scoped3A = tpu.sem_alloc : memref<!tpu.dma_semaphore, #tpu.memory_space<semaphore_mem>>
          %dma_start3A_29 = tpu.memref_slice %arg4[%add3A_24] : memref<320000xi32, #tpu.memory_space<hbm>> -> memref<80xi32, #tpu.memory_space<hbm>>
          %dma_start3A_30 = tpu.memref_slice %arg4[%add3A_24] : memref<320000xi32, #tpu.memory_space<hbm>> -> memref<80xi32, #tpu.memory_space<hbm>>
          tpu.enqueue_dma source(%dma_start3A_30 : memref<80xi32, #tpu.memory_space<hbm>>) target(%arg9 : memref<80xi32, #tpu.memory_space<vmem>>) target_semaphore(%run_scoped3A : memref<!tpu.dma_semaphore, #tpu.memory_space<semaphore_mem>>)
          %dma_wait3A_31 = tpu.memref_slice %arg4[%add3A_24] : memref<320000xi32, #tpu.memory_space<hbm>> -> memref<80xi32, #tpu.memory_space<hbm>>
          %dma_wait3A_32 = tpu.memref_slice %arg4[%add3A_24] : memref<320000xi32, #tpu.memory_space<hbm>> -> memref<80xi32, #tpu.memory_space<hbm>>
          tpu.wait_dma2 semaphore(%run_scoped3A : memref<!tpu.dma_semaphore, #tpu.memory_space<semaphore_mem>>) src(%dma_wait3A_32 : memref<80xi32, #tpu.memory_space<hbm>>) dst(%arg9 : memref<80xi32, #tpu.memory_space<vmem>>)
          tpu.yield
        }) : () -> ()
        "tpu.region"() ({
          %run_scoped3A = tpu.sem_alloc : memref<!tpu.dma_semaphore, #tpu.memory_space<semaphore_mem>>
          %dma_start3A_29 = tpu.memref_slice %arg5[%add3A_24] : memref<320000xi32, #tpu.memory_space<hbm>> -> memref<80xi32, #tpu.memory_space<hbm>>
          %dma_start3A_30 = tpu.memref_slice %arg5[%add3A_24] : memref<320000xi32, #tpu.memory_space<hbm>> -> memref<80xi32, #tpu.memory_space<hbm>>
          tpu.enqueue_dma source(%dma_start3A_30 : memref<80xi32, #tpu.memory_space<hbm>>) target(%arg10 : memref<80xi32, #tpu.memory_space<vmem>>) target_semaphore(%run_scoped3A : memref<!tpu.dma_semaphore, #tpu.memory_space<semaphore_mem>>)
          %dma_wait3A_31 = tpu.memref_slice %arg5[%add3A_24] : memref<320000xi32, #tpu.memory_space<hbm>> -> memref<80xi32, #tpu.memory_space<hbm>>
          %dma_wait3A_32 = tpu.memref_slice %arg5[%add3A_24] : memref<320000xi32, #tpu.memory_space<hbm>> -> memref<80xi32, #tpu.memory_space<hbm>>
          tpu.wait_dma2 semaphore(%run_scoped3A : memref<!tpu.dma_semaphore, #tpu.memory_space<semaphore_mem>>) src(%dma_wait3A_32 : memref<80xi32, #tpu.memory_space<hbm>>) dst(%arg10 : memref<80xi32, #tpu.memory_space<vmem>>)
          tpu.yield
        }) : () -> ()
        %dma_start3A = arith.constant 0 : i32
        %dma_start3A_25 = arith.constant 0 : i32
        %dma_start3A_26 = tpu.memref_slice %arg3[%dma_start3A, %dma_start3A_25] : memref<10240x128xf32, #tpu.memory_space<hbm>> -> memref<10240x128xf32, #tpu.memory_space<hbm>>
        tpu.enqueue_indirect_dma source(%dma_start3A_26 : memref<10240x128xf32, #tpu.memory_space<hbm>>) target(%arg11 : memref<80x128xf32, #tpu.memory_space<vmem>>) offsets(%arg9 : memref<80xi32, #tpu.memory_space<vmem>>) semaphore(%arg13 : memref<!tpu.dma_semaphore, #tpu.memory_space<semaphore_mem>>)
        %dma_wait3A = arith.constant 0 : i32
        %dma_wait3A_27 = arith.constant 0 : i32
        %dma_wait3A_28 = tpu.memref_slice %arg3[%dma_wait3A, %dma_wait3A_27] : memref<10240x128xf32, #tpu.memory_space<hbm>> -> memref<10240x128xf32, #tpu.memory_space<hbm>>
        tpu.wait_indirect_dma semaphore(%arg13 : memref<!tpu.dma_semaphore, #tpu.memory_space<semaphore_mem>>) src(%dma_wait3A_28 : memref<10240x128xf32, #tpu.memory_space<hbm>>) dst(%arg11 : memref<80x128xf32, #tpu.memory_space<vmem>>)
        "tpu.region"() ({
          %run_scoped3A = tpu.sem_alloc : memref<!tpu.dma_semaphore, #tpu.memory_space<semaphore_mem>>
          %dma_start3A_29 = arith.constant 0 : i32
          %dma_start3A_30 = arith.constant 0 : i32
          %dma_start3A_31 = tpu.memref_slice %arg12[%dma_start3A_29, %dma_start3A_30] : memref<10240x128xf32, #tpu.memory_space<vmem_shared>> -> memref<10240x128xf32, #tpu.memory_space<vmem_shared>>
          tpu.enqueue_indirect_dma source(%arg11 : memref<80x128xf32, #tpu.memory_space<vmem>>) target(%dma_start3A_31 : memref<10240x128xf32, #tpu.memory_space<vmem_shared>>) offsets(%arg10 : memref<80xi32, #tpu.memory_space<vmem>>) semaphore(%run_scoped3A : memref<!tpu.dma_semaphore, #tpu.memory_space<semaphore_mem>>) {add = true}
          %dma_wait3A_32 = arith.constant 0 : i32
          %dma_wait3A_33 = arith.constant 0 : i32
          %dma_wait3A_34 = tpu.memref_slice %arg12[%dma_wait3A_32, %dma_wait3A_33] : memref<10240x128xf32, #tpu.memory_space<vmem_shared>> -> memref<10240x128xf32, #tpu.memory_space<vmem_shared>>
          tpu.wait_indirect_dma semaphore(%run_scoped3A : memref<!tpu.dma_semaphore, #tpu.memory_space<semaphore_mem>>) src(%arg11 : memref<80x128xf32, #tpu.memory_space<vmem>>) dst(%dma_wait3A_34 : memref<10240x128xf32, #tpu.memory_space<vmem_shared>>)
          tpu.yield
        }) : () -> ()
      }
      %scan3A_15 = arith.constant 125 : i32
      %barrier3A_16 = arith.constant 0 : index
      tpu.barrier barrier_id(%barrier3A_16)
      %mul3A_17 = arith.constant 640 : i32
      %mul3A_18 = arith.muli %arg1, %mul3A_17 : i32
      %mul3A_19 = arith.constant 640 : i32
      %mul3A_20 = arith.muli %arg1, %mul3A_19 : i32
      "tpu.region"() ({
        %run_scoped3A = tpu.sem_alloc : memref<!tpu.dma_semaphore, #tpu.memory_space<semaphore_mem>>
        %dma_start3A = arith.constant 0 : i32
        %dma_start3A_21 = tpu.memref_slice %arg8[%mul3A_20, %dma_start3A] : memref<10240x128xf32, #tpu.memory_space<hbm>> -> memref<640x128xf32, #tpu.memory_space<hbm>>
        %dma_start3A_22 = arith.constant 0 : i32
        %dma_start3A_23 = tpu.memref_slice %arg12[%mul3A_18, %dma_start3A_22] : memref<10240x128xf32, #tpu.memory_space<vmem_shared>> -> memref<640x128xf32, #tpu.memory_space<vmem_shared>>
        tpu.enqueue_dma source(%dma_start3A_23 : memref<640x128xf32, #tpu.memory_space<vmem_shared>>) target(%dma_start3A_21 : memref<640x128xf32, #tpu.memory_space<hbm>>) target_semaphore(%run_scoped3A : memref<!tpu.dma_semaphore, #tpu.memory_space<semaphore_mem>>)
        %dma_wait3A = arith.constant 0 : i32
        %dma_wait3A_24 = tpu.memref_slice %arg8[%mul3A_20, %dma_wait3A] : memref<10240x128xf32, #tpu.memory_space<hbm>> -> memref<640x128xf32, #tpu.memory_space<hbm>>
        %dma_wait3A_25 = arith.constant 0 : i32
        %dma_wait3A_26 = tpu.memref_slice %arg12[%mul3A_18, %dma_wait3A_25] : memref<10240x128xf32, #tpu.memory_space<vmem_shared>> -> memref<640x128xf32, #tpu.memory_space<vmem_shared>>
        tpu.wait_dma2 semaphore(%run_scoped3A : memref<!tpu.dma_semaphore, #tpu.memory_space<semaphore_mem>>) src(%dma_wait3A_26 : memref<640x128xf32, #tpu.memory_space<vmem_shared>>) dst(%dma_wait3A_24 : memref<640x128xf32, #tpu.memory_space<hbm>>)
        tpu.yield
      }) : () -> ()
    } else {
    }
    return
  }
}

module attributes {stable_mosaic.version = 14 : i64} {
  func.func @body(%arg0: i32, %arg1: memref<1024x128xf32, #tpu.memory_space<vmem>>, %arg2: memref<1024x128xf32, #tpu.memory_space<vmem>>, %arg3: memref<1024x16xf32, #tpu.memory_space<vmem>>, %arg4: memref<1024x16xf32, #tpu.memory_space<vmem>>, %arg5: memref<128x256xf32, #tpu.memory_space<vmem>>, %arg6: memref<128x256xf32, #tpu.memory_space<vmem>>, %arg7: memref<1x256xf32, #tpu.memory_space<vmem>>, %arg8: memref<256x128xf32, #tpu.memory_space<vmem>>, %arg9: memref<1024x128xf32, #tpu.memory_space<vmem>>) attributes {dimension_semantics = [#tpu.dimension_semantics<arbitrary>], iteration_bounds = array<i64: 10>, scalar_prefetch = 0 : i64, scratch_operands = 0 : i64, tpu.core_type = #tpu.core_type<tc>, window_params = [{transform_indices = @transform_0, window_bounds = array<i64: 1024, 128>}, {transform_indices = @transform_1, window_bounds = array<i64: 1024, 128>}, {transform_indices = @transform_2, window_bounds = array<i64: 1024, 16>}, {transform_indices = @transform_3, window_bounds = array<i64: 1024, 16>}, {pipeline_mode = #tpu.pipeline_mode<synchronous>, transform_indices = @transform_4, window_bounds = array<i64: 128, 256>}, {pipeline_mode = #tpu.pipeline_mode<synchronous>, transform_indices = @transform_5, window_bounds = array<i64: 128, 256>}, {pipeline_mode = #tpu.pipeline_mode<synchronous>, transform_indices = @transform_6, window_bounds = array<i64: 1, 256>}, {pipeline_mode = #tpu.pipeline_mode<synchronous>, transform_indices = @transform_7, window_bounds = array<i64: 256, 128>}, {transform_indices = @transform_8, window_bounds = array<i64: 1024, 128>}]} {
    %get3A = arith.constant 0 : index
    %get3A_0 = arith.constant 0 : index
    %get3A_1 = vector.load %arg3[%get3A, %get3A_0] : memref<1024x16xf32, #tpu.memory_space<vmem>>, vector<1024x16xf32>
    %slice3A = vector.extract_strided_slice %get3A_1 {offsets = [0, 0], sizes = [1024, 1], strides = [1, 1]} : vector<1024x16xf32> to vector<1024x1xf32>
    %get3A_2 = arith.constant 0 : index
    %get3A_3 = arith.constant 0 : index
    %get3A_4 = vector.load %arg1[%get3A_2, %get3A_3] : memref<1024x128xf32, #tpu.memory_space<vmem>>, vector<1024x128xf32>
    %mul3A = vector.broadcast %slice3A : vector<1024x1xf32> to vector<1024x128xf32>
    %mul3A_5 = arith.mulf %get3A_4, %mul3A : vector<1024x128xf32>
    %get3A_6 = arith.constant 0 : index
    %get3A_7 = arith.constant 0 : index
    %get3A_8 = vector.load %arg5[%get3A_6, %get3A_7] : memref<128x256xf32, #tpu.memory_space<vmem>>, vector<128x256xf32>
    %dot_general3A = arith.constant dense<0.000000e+00> : vector<1024x256xf32>
    %dot_general3A_9 = tpu.matmul %mul3A_5, %get3A_8, %dot_general3A {dimension_numbers = #tpu.dot_dimension_numbers<[1], [0], [0], [1], [0, 0, 1, 1], [], []>, transpose_lhs_hint = false} : vector<1024x128xf32>, vector<128x256xf32>, vector<1024x256xf32> -> vector<1024x256xf32>
    %get3A_10 = arith.constant 0 : index
    %get3A_11 = arith.constant 0 : index
    %get3A_12 = vector.load %arg2[%get3A_10, %get3A_11] : memref<1024x128xf32, #tpu.memory_space<vmem>>, vector<1024x128xf32>
    %mul3A_13 = vector.broadcast %slice3A : vector<1024x1xf32> to vector<1024x128xf32>
    %mul3A_14 = arith.mulf %get3A_12, %mul3A_13 : vector<1024x128xf32>
    %get3A_15 = arith.constant 0 : index
    %get3A_16 = arith.constant 0 : index
    %get3A_17 = vector.load %arg6[%get3A_15, %get3A_16] : memref<128x256xf32, #tpu.memory_space<vmem>>, vector<128x256xf32>
    %dot_general3A_18 = arith.constant dense<0.000000e+00> : vector<1024x256xf32>
    %dot_general3A_19 = tpu.matmul %mul3A_14, %get3A_17, %dot_general3A_18 {dimension_numbers = #tpu.dot_dimension_numbers<[1], [0], [0], [1], [0, 0, 1, 1], [], []>, transpose_lhs_hint = false} : vector<1024x128xf32>, vector<128x256xf32>, vector<1024x256xf32> -> vector<1024x256xf32>
    %add3A = arith.addf %dot_general3A_9, %dot_general3A_19 : vector<1024x256xf32>
    %get3A_20 = arith.constant 0 : index
    %get3A_21 = arith.constant 0 : index
    %get3A_22 = vector.load %arg7[%get3A_20, %get3A_21] : memref<1x256xf32, #tpu.memory_space<vmem>>, vector<1x256xf32>
    %add3A_23 = vector.broadcast %get3A_22 : vector<1x256xf32> to vector<1024x256xf32>
    %add3A_24 = arith.addf %add3A, %add3A_23 : vector<1024x256xf32>
    %max3A = arith.constant 0.000000e+00 : f32
    %max3A_25 = vector.broadcast %max3A : f32 to vector<1024x256xf32>
    %max3A_26 = arith.maximumf %add3A_24, %max3A_25 : vector<1024x256xf32>
    %get3A_27 = arith.constant 0 : index
    %get3A_28 = arith.constant 0 : index
    %get3A_29 = vector.load %arg4[%get3A_27, %get3A_28] : memref<1024x16xf32, #tpu.memory_space<vmem>>, vector<1024x16xf32>
    %slice3A_30 = vector.extract_strided_slice %get3A_29 {offsets = [0, 0], sizes = [1024, 1], strides = [1, 1]} : vector<1024x16xf32> to vector<1024x1xf32>
    %mul3A_31 = vector.broadcast %slice3A_30 : vector<1024x1xf32> to vector<1024x256xf32>
    %mul3A_32 = arith.mulf %max3A_26, %mul3A_31 : vector<1024x256xf32>
    %get3A_33 = arith.constant 0 : index
    %get3A_34 = arith.constant 0 : index
    %get3A_35 = vector.load %arg8[%get3A_33, %get3A_34] : memref<256x128xf32, #tpu.memory_space<vmem>>, vector<256x128xf32>
    %dot_general3A_36 = arith.constant dense<0.000000e+00> : vector<1024x128xf32>
    %dot_general3A_37 = tpu.matmul %mul3A_32, %get3A_35, %dot_general3A_36 {dimension_numbers = #tpu.dot_dimension_numbers<[1], [0], [0], [1], [0, 0, 1, 1], [], []>, transpose_lhs_hint = false} : vector<1024x256xf32>, vector<256x128xf32>, vector<1024x128xf32> -> vector<1024x128xf32>
    %swap3A = arith.constant 0 : index
    %swap3A_38 = arith.constant 0 : index
    %swap3A_39 = vector.load %arg9[%swap3A, %swap3A_38] : memref<1024x128xf32, #tpu.memory_space<vmem>>, vector<1024x128xf32>
    tpu.vector_store %arg9[%swap3A, %swap3A_38], %dot_general3A_37 {strides = array<i32>} : memref<1024x128xf32, #tpu.memory_space<vmem>>, vector<1024x128xf32>,
    return
  }
  func.func @transform_0(%arg0: i32) -> (i32, i32) {
    %c0_i32 = arith.constant 0 : i32
    %c0_i32_0 = arith.constant 0 : i32
    return %arg0, %c0_i32 : i32, i32
  }
  func.func @transform_1(%arg0: i32) -> (i32, i32) {
    %c0_i32 = arith.constant 0 : i32
    %c0_i32_0 = arith.constant 0 : i32
    return %arg0, %c0_i32 : i32, i32
  }
  func.func @transform_2(%arg0: i32) -> (i32, i32) {
    %c0_i32 = arith.constant 0 : i32
    %c0_i32_0 = arith.constant 0 : i32
    return %arg0, %c0_i32 : i32, i32
  }
  func.func @transform_3(%arg0: i32) -> (i32, i32) {
    %c0_i32 = arith.constant 0 : i32
    %c0_i32_0 = arith.constant 0 : i32
    return %arg0, %c0_i32 : i32, i32
  }
  func.func @transform_4(%arg0: i32) -> (i32, i32) {
    %c0_i32 = arith.constant 0 : i32
    %c0_i32_0 = arith.constant 0 : i32
    %c0_i32_1 = arith.constant 0 : i32
    return %c0_i32, %c0_i32_0 : i32, i32
  }
  func.func @transform_5(%arg0: i32) -> (i32, i32) {
    %c0_i32 = arith.constant 0 : i32
    %c0_i32_0 = arith.constant 0 : i32
    %c0_i32_1 = arith.constant 0 : i32
    return %c0_i32, %c0_i32_0 : i32, i32
  }
  func.func @transform_6(%arg0: i32) -> (i32, i32) {
    %c0_i32 = arith.constant 0 : i32
    %c0_i32_0 = arith.constant 0 : i32
    %c0_i32_1 = arith.constant 0 : i32
    return %c0_i32, %c0_i32_0 : i32, i32
  }
  func.func @transform_7(%arg0: i32) -> (i32, i32) {
    %c0_i32 = arith.constant 0 : i32
    %c0_i32_0 = arith.constant 0 : i32
    %c0_i32_1 = arith.constant 0 : i32
    return %c0_i32, %c0_i32_0 : i32, i32
  }
  func.func @transform_8(%arg0: i32) -> (i32, i32) {
    %c0_i32 = arith.constant 0 : i32
    %c0_i32_0 = arith.constant 0 : i32
    return %arg0, %c0_i32 : i32, i32
  }
}

module attributes {stable_mosaic.version = 14 : i64} {
  func.func @body(%arg0: i32, %arg1: memref<2x1024x128xf32, #tpu.memory_space<vmem>>, %arg2: memref<1024x128xf32, #tpu.memory_space<vmem>>, %arg3: memref<1024x16xf32, #tpu.memory_space<vmem>>, %arg4: memref<1024x16xf32, #tpu.memory_space<vmem>>, %arg5: memref<1024x128xf32, #tpu.memory_space<vmem>>) attributes {dimension_semantics = [#tpu.dimension_semantics<arbitrary>], iteration_bounds = array<i64: 10>, scalar_prefetch = 0 : i64, scratch_operands = 0 : i64, tpu.core_type = #tpu.core_type<tc>, window_params = [{transform_indices = @transform_0, window_bounds = array<i64: 2, 1024, 128>}, {transform_indices = @transform_1, window_bounds = array<i64: 1024, 128>}, {transform_indices = @transform_2, window_bounds = array<i64: 1024, 16>}, {transform_indices = @transform_3, window_bounds = array<i64: 1024, 16>}, {transform_indices = @transform_4, window_bounds = array<i64: 1024, 128>}]} {
    %get3A = arith.constant 0 : index
    %get3A_0 = arith.constant 0 : index
    %get3A_1 = arith.constant 0 : index
    %get3A_2 = vector.load %arg1[%get3A, %get3A_0, %get3A_1] : memref<2x1024x128xf32, #tpu.memory_space<vmem>>, vector<1x1024x16xf32>
    %get3A_3 = vector.shape_cast %get3A_2 : vector<1x1024x16xf32> to vector<1024x16xf32>
    %get3A_4 = arith.constant 1 : index
    %get3A_5 = arith.constant 0 : index
    %get3A_6 = arith.constant 0 : index
    %get3A_7 = vector.load %arg1[%get3A_4, %get3A_5, %get3A_6] : memref<2x1024x128xf32, #tpu.memory_space<vmem>>, vector<1x1024x16xf32>
    %get3A_8 = vector.shape_cast %get3A_7 : vector<1x1024x16xf32> to vector<1024x16xf32>
    %gt3A = arith.constant 0.000000e+00 : f32
    %gt3A_9 = vector.broadcast %gt3A : f32 to vector<1024x16xf32>
    %gt3A_10 = arith.cmpf ogt, %get3A_3, %gt3A_9 : vector<1024x16xf32>
    %max3A = arith.constant 1.000000e+00 : f32
    %max3A_11 = vector.broadcast %max3A : f32 to vector<1024x16xf32>
    %max3A_12 = arith.maximumf %get3A_3, %max3A_11 : vector<1024x16xf32>
    %rsqrt3A = math.rsqrt %max3A_12 : vector<1024x16xf32>
    %jit3A = arith.constant 0.000000e+00 : f32
    %broadcast_in_dim3A = vector.broadcast %jit3A : f32 to vector<1024x16xf32>
    %select_n3A = arith.select %gt3A_10, %rsqrt3A, %broadcast_in_dim3A : vector<1024x16xi1>, vector<1024x16xf32>
    %gt3A_13 = arith.constant 0.000000e+00 : f32
    %gt3A_14 = vector.broadcast %gt3A_13 : f32 to vector<1024x16xf32>
    %gt3A_15 = arith.cmpf ogt, %get3A_8, %gt3A_14 : vector<1024x16xf32>
    %max3A_16 = arith.constant 1.000000e+00 : f32
    %max3A_17 = vector.broadcast %max3A_16 : f32 to vector<1024x16xf32>
    %max3A_18 = arith.maximumf %get3A_8, %max3A_17 : vector<1024x16xf32>
    %rsqrt3A_19 = math.rsqrt %max3A_18 : vector<1024x16xf32>
    %jit3A_20 = arith.constant 0.000000e+00 : f32
    %broadcast_in_dim3A_21 = vector.broadcast %jit3A_20 : f32 to vector<1024x16xf32>
    %select_n3A_22 = arith.select %gt3A_15, %rsqrt3A_19, %broadcast_in_dim3A_21 : vector<1024x16xi1>, vector<1024x16xf32>
    %swap3A = arith.constant 0 : index
    %swap3A_23 = arith.constant 0 : index
    %swap3A_24 = vector.load %arg3[%swap3A, %swap3A_23] : memref<1024x16xf32, #tpu.memory_space<vmem>>, vector<1024x16xf32>
    tpu.vector_store %arg3[%swap3A, %swap3A_23], %select_n3A {strides = array<i32>} : memref<1024x16xf32, #tpu.memory_space<vmem>>, vector<1024x16xf32>,
    %swap3A_25 = arith.constant 0 : index
    %swap3A_26 = arith.constant 0 : index
    %swap3A_27 = vector.load %arg4[%swap3A_25, %swap3A_26] : memref<1024x16xf32, #tpu.memory_space<vmem>>, vector<1024x16xf32>
    tpu.vector_store %arg4[%swap3A_25, %swap3A_26], %select_n3A_22 {strides = array<i32>} : memref<1024x16xf32, #tpu.memory_space<vmem>>, vector<1024x16xf32>,
    %get3A_28 = arith.constant 0 : index
    %get3A_29 = arith.constant 0 : index
    %get3A_30 = vector.load %arg2[%get3A_28, %get3A_29] : memref<1024x128xf32, #tpu.memory_space<vmem>>, vector<1024x128xf32>
    %slice3A = vector.extract_strided_slice %select_n3A {offsets = [0, 0], sizes = [1024, 1], strides = [1, 1]} : vector<1024x16xf32> to vector<1024x1xf32>
    %mul3A = vector.broadcast %slice3A : vector<1024x1xf32> to vector<1024x128xf32>
    %mul3A_31 = arith.mulf %get3A_30, %mul3A : vector<1024x128xf32>
    %swap3A_32 = arith.constant 0 : index
    %swap3A_33 = arith.constant 0 : index
    %swap3A_34 = vector.load %arg5[%swap3A_32, %swap3A_33] : memref<1024x128xf32, #tpu.memory_space<vmem>>, vector<1024x128xf32>
    tpu.vector_store %arg5[%swap3A_32, %swap3A_33], %mul3A_31 {strides = array<i32>} : memref<1024x128xf32, #tpu.memory_space<vmem>>, vector<1024x128xf32>,
    return
  }
  func.func @transform_0(%arg0: i32) -> (i32, i32, i32) {
    %c0_i32 = arith.constant 0 : i32
    %c0_i32_0 = arith.constant 0 : i32
    %c0_i32_1 = arith.constant 0 : i32
    return %c0_i32, %arg0, %c0_i32_0 : i32, i32, i32
  }
  func.func @transform_1(%arg0: i32) -> (i32, i32) {
    %c0_i32 = arith.constant 0 : i32
    %c0_i32_0 = arith.constant 0 : i32
    return %arg0, %c0_i32 : i32, i32
  }
  func.func @transform_2(%arg0: i32) -> (i32, i32) {
    %c0_i32 = arith.constant 0 : i32
    %c0_i32_0 = arith.constant 0 : i32
    return %arg0, %c0_i32 : i32, i32
  }
  func.func @transform_3(%arg0: i32) -> (i32, i32) {
    %c0_i32 = arith.constant 0 : i32
    %c0_i32_0 = arith.constant 0 : i32
    return %arg0, %c0_i32 : i32, i32
  }
  func.func @transform_4(%arg0: i32) -> (i32, i32) {
    %c0_i32 = arith.constant 0 : i32
    %c0_i32_0 = arith.constant 0 : i32
    return %arg0, %c0_i32 : i32, i32
  }
}

module attributes {stable_mosaic.version = 14 : i64} {
  func.func @body(%arg0: i32, %arg1: memref<1024x128xf32, #tpu.memory_space<vmem>>, %arg2: memref<1024x128xf32, #tpu.memory_space<vmem>>, %arg3: memref<1024x16xf32, #tpu.memory_space<vmem>>, %arg4: memref<1024x16xf32, #tpu.memory_space<vmem>>, %arg5: memref<128x256xf32, #tpu.memory_space<vmem>>, %arg6: memref<1x256xf32, #tpu.memory_space<vmem>>, %arg7: memref<1024x128xf32, #tpu.memory_space<vmem>>, %arg8: memref<1024x128xf32, #tpu.memory_space<vmem>>) attributes {dimension_semantics = [#tpu.dimension_semantics<arbitrary>], iteration_bounds = array<i64: 10>, scalar_prefetch = 0 : i64, scratch_operands = 0 : i64, tpu.core_type = #tpu.core_type<tc>, window_params = [{transform_indices = @transform_0, window_bounds = array<i64: 1024, 128>}, {transform_indices = @transform_1, window_bounds = array<i64: 1024, 128>}, {transform_indices = @transform_2, window_bounds = array<i64: 1024, 16>}, {transform_indices = @transform_3, window_bounds = array<i64: 1024, 16>}, {pipeline_mode = #tpu.pipeline_mode<synchronous>, transform_indices = @transform_4, window_bounds = array<i64: 128, 256>}, {pipeline_mode = #tpu.pipeline_mode<synchronous>, transform_indices = @transform_5, window_bounds = array<i64: 1, 256>}, {transform_indices = @transform_6, window_bounds = array<i64: 1024, 128>}, {transform_indices = @transform_7, window_bounds = array<i64: 1024, 128>}]} {
    %get3A = arith.constant 0 : index
    %get3A_0 = arith.constant 0 : index
    %get3A_1 = vector.load %arg1[%get3A, %get3A_0] : memref<1024x128xf32, #tpu.memory_space<vmem>>, vector<1024x128xf32>
    %get3A_2 = arith.constant 0 : index
    %get3A_3 = arith.constant 0 : index
    %get3A_4 = vector.load %arg2[%get3A_2, %get3A_3] : memref<1024x128xf32, #tpu.memory_space<vmem>>, vector<1024x128xf32>
    %add3A = arith.addf %get3A_1, %get3A_4 : vector<1024x128xf32>
    %get3A_5 = arith.constant 0 : index
    %get3A_6 = arith.constant 0 : index
    %get3A_7 = vector.load %arg3[%get3A_5, %get3A_6] : memref<1024x16xf32, #tpu.memory_space<vmem>>, vector<1024x16xf32>
    %slice3A = vector.extract_strided_slice %get3A_7 {offsets = [0, 0], sizes = [1024, 1], strides = [1, 1]} : vector<1024x16xf32> to vector<1024x1xf32>
    %mul3A = vector.broadcast %slice3A : vector<1024x1xf32> to vector<1024x128xf32>
    %mul3A_8 = arith.mulf %add3A, %mul3A : vector<1024x128xf32>
    %get3A_9 = arith.constant 0 : index
    %get3A_10 = arith.constant 0 : index
    %get3A_11 = vector.load %arg5[%get3A_9, %get3A_10] : memref<128x256xf32, #tpu.memory_space<vmem>>, vector<128x256xf32>
    %dot_general3A = arith.constant dense<0.000000e+00> : vector<1024x256xf32>
    %dot_general3A_12 = tpu.matmul %mul3A_8, %get3A_11, %dot_general3A {dimension_numbers = #tpu.dot_dimension_numbers<[1], [0], [0], [1], [0, 0, 1, 1], [], []>, transpose_lhs_hint = false} : vector<1024x128xf32>, vector<128x256xf32>, vector<1024x256xf32> -> vector<1024x256xf32>
    %get3A_13 = arith.constant 0 : index
    %get3A_14 = arith.constant 0 : index
    %get3A_15 = vector.load %arg6[%get3A_13, %get3A_14] : memref<1x256xf32, #tpu.memory_space<vmem>>, vector<1x256xf32>
    %add3A_16 = vector.broadcast %get3A_15 : vector<1x256xf32> to vector<1024x256xf32>
    %add3A_17 = arith.addf %dot_general3A_12, %add3A_16 : vector<1024x256xf32>
    %max3A = arith.constant 0.000000e+00 : f32
    %max3A_18 = vector.broadcast %max3A : f32 to vector<1024x256xf32>
    %max3A_19 = arith.maximumf %add3A_17, %max3A_18 : vector<1024x256xf32>
    %get3A_20 = arith.constant 0 : index
    %get3A_21 = arith.constant 0 : index
    %get3A_22 = vector.load %arg4[%get3A_20, %get3A_21] : memref<1024x16xf32, #tpu.memory_space<vmem>>, vector<1024x16xf32>
    %slice3A_23 = vector.extract_strided_slice %get3A_22 {offsets = [0, 0], sizes = [1024, 1], strides = [1, 1]} : vector<1024x16xf32> to vector<1024x1xf32>
    %mul3A_24 = vector.broadcast %slice3A_23 : vector<1024x1xf32> to vector<1024x256xf32>
    %mul3A_25 = arith.mulf %max3A_19, %mul3A_24 : vector<1024x256xf32>
    %slice3A_26 = vector.extract_strided_slice %mul3A_25 {offsets = [0, 0], sizes = [1024, 128], strides = [1, 1]} : vector<1024x256xf32> to vector<1024x128xf32>
    %swap3A = arith.constant 0 : index
    %swap3A_27 = arith.constant 0 : index
    %swap3A_28 = vector.load %arg7[%swap3A, %swap3A_27] : memref<1024x128xf32, #tpu.memory_space<vmem>>, vector<1024x128xf32>
    tpu.vector_store %arg7[%swap3A, %swap3A_27], %slice3A_26 {strides = array<i32>} : memref<1024x128xf32, #tpu.memory_space<vmem>>, vector<1024x128xf32>,
    %slice3A_29 = vector.extract_strided_slice %mul3A_25 {offsets = [0, 128], sizes = [1024, 128], strides = [1, 1]} : vector<1024x256xf32> to vector<1024x128xf32>
    %swap3A_30 = arith.constant 0 : index
    %swap3A_31 = arith.constant 0 : index
    %swap3A_32 = vector.load %arg8[%swap3A_30, %swap3A_31] : memref<1024x128xf32, #tpu.memory_space<vmem>>, vector<1024x128xf32>
    tpu.vector_store %arg8[%swap3A_30, %swap3A_31], %slice3A_29 {strides = array<i32>} : memref<1024x128xf32, #tpu.memory_space<vmem>>, vector<1024x128xf32>,
    return
  }
  func.func @transform_0(%arg0: i32) -> (i32, i32) {
    %c0_i32 = arith.constant 0 : i32
    %c0_i32_0 = arith.constant 0 : i32
    return %arg0, %c0_i32 : i32, i32
  }
  func.func @transform_1(%arg0: i32) -> (i32, i32) {
    %c0_i32 = arith.constant 0 : i32
    %c0_i32_0 = arith.constant 0 : i32
    return %arg0, %c0_i32 : i32, i32
  }
  func.func @transform_2(%arg0: i32) -> (i32, i32) {
    %c0_i32 = arith.constant 0 : i32
    %c0_i32_0 = arith.constant 0 : i32
    return %arg0, %c0_i32 : i32, i32
  }
  func.func @transform_3(%arg0: i32) -> (i32, i32) {
    %c0_i32 = arith.constant 0 : i32
    %c0_i32_0 = arith.constant 0 : i32
    return %arg0, %c0_i32 : i32, i32
  }
  func.func @transform_4(%arg0: i32) -> (i32, i32) {
    %c0_i32 = arith.constant 0 : i32
    %c0_i32_0 = arith.constant 0 : i32
    %c0_i32_1 = arith.constant 0 : i32
    return %c0_i32, %c0_i32_0 : i32, i32
  }
  func.func @transform_5(%arg0: i32) -> (i32, i32) {
    %c0_i32 = arith.constant 0 : i32
    %c0_i32_0 = arith.constant 0 : i32
    %c0_i32_1 = arith.constant 0 : i32
    return %c0_i32, %c0_i32_0 : i32, i32
  }
  func.func @transform_6(%arg0: i32) -> (i32, i32) {
    %c0_i32 = arith.constant 0 : i32
    %c0_i32_0 = arith.constant 0 : i32
    return %arg0, %c0_i32 : i32, i32
  }
  func.func @transform_7(%arg0: i32) -> (i32, i32) {
    %c0_i32 = arith.constant 0 : i32
    %c0_i32_0 = arith.constant 0 : i32
    return %arg0, %c0_i32 : i32, i32
  }
}

module attributes {stable_mosaic.version = 14 : i64} {
  func.func @body(%arg0: i32, %arg1: memref<1024x128xf32, #tpu.memory_space<vmem>>, %arg2: memref<1024x128xf32, #tpu.memory_space<vmem>>, %arg3: memref<1024x16xf32, #tpu.memory_space<vmem>>, %arg4: memref<1x128xf32, #tpu.memory_space<vmem>>, %arg5: memref<1024x128xf32, #tpu.memory_space<vmem>>) attributes {dimension_semantics = [#tpu.dimension_semantics<arbitrary>], iteration_bounds = array<i64: 10>, scalar_prefetch = 0 : i64, scratch_operands = 0 : i64, tpu.core_type = #tpu.core_type<tc>, window_params = [{transform_indices = @transform_0, window_bounds = array<i64: 1024, 128>}, {transform_indices = @transform_1, window_bounds = array<i64: 1024, 128>}, {transform_indices = @transform_2, window_bounds = array<i64: 1024, 16>}, {pipeline_mode = #tpu.pipeline_mode<synchronous>, transform_indices = @transform_3, window_bounds = array<i64: 1, 128>}, {transform_indices = @transform_4, window_bounds = array<i64: 1024, 128>}]} {
    %get3A = arith.constant 0 : index
    %get3A_0 = arith.constant 0 : index
    %get3A_1 = vector.load %arg1[%get3A, %get3A_0] : memref<1024x128xf32, #tpu.memory_space<vmem>>, vector<1024x128xf32>
    %get3A_2 = arith.constant 0 : index
    %get3A_3 = arith.constant 0 : index
    %get3A_4 = vector.load %arg2[%get3A_2, %get3A_3] : memref<1024x128xf32, #tpu.memory_space<vmem>>, vector<1024x128xf32>
    %add3A = arith.addf %get3A_1, %get3A_4 : vector<1024x128xf32>
    %get3A_5 = arith.constant 0 : index
    %get3A_6 = arith.constant 0 : index
    %get3A_7 = vector.load %arg3[%get3A_5, %get3A_6] : memref<1024x16xf32, #tpu.memory_space<vmem>>, vector<1024x16xf32>
    %slice3A = vector.extract_strided_slice %get3A_7 {offsets = [0, 0], sizes = [1024, 1], strides = [1, 1]} : vector<1024x16xf32> to vector<1024x1xf32>
    %mul3A = vector.broadcast %slice3A : vector<1024x1xf32> to vector<1024x128xf32>
    %mul3A_8 = arith.mulf %add3A, %mul3A : vector<1024x128xf32>
    %get3A_9 = arith.constant 0 : index
    %get3A_10 = arith.constant 0 : index
    %get3A_11 = vector.load %arg4[%get3A_9, %get3A_10] : memref<1x128xf32, #tpu.memory_space<vmem>>, vector<1x128xf32>
    %add3A_12 = vector.broadcast %get3A_11 : vector<1x128xf32> to vector<1024x128xf32>
    %add3A_13 = arith.addf %mul3A_8, %add3A_12 : vector<1024x128xf32>
    %max3A = arith.constant 0.000000e+00 : f32
    %max3A_14 = vector.broadcast %max3A : f32 to vector<1024x128xf32>
    %max3A_15 = arith.maximumf %add3A_13, %max3A_14 : vector<1024x128xf32>
    %swap3A = arith.constant 0 : index
    %swap3A_16 = arith.constant 0 : index
    %swap3A_17 = vector.load %arg5[%swap3A, %swap3A_16] : memref<1024x128xf32, #tpu.memory_space<vmem>>, vector<1024x128xf32>
    tpu.vector_store %arg5[%swap3A, %swap3A_16], %max3A_15 {strides = array<i32>} : memref<1024x128xf32, #tpu.memory_space<vmem>>, vector<1024x128xf32>,
    return
  }
  func.func @transform_0(%arg0: i32) -> (i32, i32) {
    %c0_i32 = arith.constant 0 : i32
    %c0_i32_0 = arith.constant 0 : i32
    return %arg0, %c0_i32 : i32, i32
  }
  func.func @transform_1(%arg0: i32) -> (i32, i32) {
    %c0_i32 = arith.constant 0 : i32
    %c0_i32_0 = arith.constant 0 : i32
    return %arg0, %c0_i32 : i32, i32
  }
  func.func @transform_2(%arg0: i32) -> (i32, i32) {
    %c0_i32 = arith.constant 0 : i32
    %c0_i32_0 = arith.constant 0 : i32
    return %arg0, %c0_i32 : i32, i32
  }
  func.func @transform_3(%arg0: i32) -> (i32, i32) {
    %c0_i32 = arith.constant 0 : i32
    %c0_i32_0 = arith.constant 0 : i32
    %c0_i32_1 = arith.constant 0 : i32
    return %c0_i32, %c0_i32_0 : i32, i32
  }
  func.func @transform_4(%arg0: i32) -> (i32, i32) {
    %c0_i32 = arith.constant 0 : i32
    %c0_i32_0 = arith.constant 0 : i32
    return %arg0, %c0_i32 : i32, i32
  }
}

</mosaic_0001>

<sc_bundles>
// kernel: kernel.10.cloned.1.call-start
scs
__scs_entry_jumppad:
0x0: {  	(pc) =	sbr.rel $0x88, $3  }
0x1: {  	(tag) =	ssettag $0x0;
	lr =	simm.s32 $0x1  }
0x2: {  	[smem:$0x3F99] =	sst lr;
	_ =	strace $0xD0000000  }
0x3: {  	_ = 	snop  }
0x4: {  	_ = 	snop  }
0x5: {  	_ = 	snop  }
0x6: {  	_ = 	snop  }
0x7: {  	_ = 	snop  }
__scs_overlays_trampoline_lowered:
0x8: {  	[smem:$0x3FA8] =	sst s0  }
0x9: {  	[smem:$0x3FA9] =	sst s1  }
0xa: {  	[smem:$0x3FAA] =	sst s2  }
0xb: {  	[smem:$0x3FAB] =	sst s3  }
0xc: {  	[smem:$0x3FAC] =	sst s4  }
0xd: {  	[smem:$0x3FAD] =	sst s5  }
0xe: {  	[smem:$0x3FAE] =	sst s6  }
0xf: {  	[smem:$0x3FAF] =	sst s7  }
0x10: {  	[smem:$0x3FB0] =	sst s8  }
0x11: {  	[smem:$0x3FB1] =	sst s9;
	s0 =	simm.s32 @!p0 $0x0  }
0x12: {  	s1 =	sld [smem:$0x3F97];
	s0 =	simm.s32 @p0 $0x1  }
0x13: {  	[smem:$0x3FB2] =	sst s0;
	s0 =	simm.s32 @!p1 $0x0  }
0x14: {  	s2 =	sld [smem:$0x3F96];
	s0 =	simm.s32 @p1 $0x1  }
0x15: {  	[smem:$0x3FB3] =	sst s0;
	s0 =	simm.s32 @!p2 $0x0  }
0x16: {  	s3 =	sld [smem:$0x3FDB];
	s0 =	simm.s32 @p2 $0x1  }
0x17: {  	s4 =	simm.s32 $0x1BF5;
	[smem:$0x3FB5] =	sst s0  }
0x18: {  	s0 =	sld [smem:$0x3F98];
	_ =	swait.ge [sflag:s4], $0x0  }
0x19: {  	s7 =	sld [smem:$0x3F99]  }
0x1a: {  	s8 =	sadd.s32 $0xFFFFE003, lr  }
0x1b: {  	s9 =	sadd.s32 $0xFFFFFEF7, lr;
	s5 =	simm.s32 $0xFFFFFFFF;
	p2 =	slt.u32 s8, $0xFFFFF086  }
0x1c: {  	p1 =	slt.u32 s9, $0xF7A;
	s5 =	simm.s32 @!p2 $0x0  }
0x1d: {  	s5 =	simm.s32 @p1 $0x1;
	p0 =	seq.s32 s7, s2  }
0x1e: {  	s7 =	smul.u32 @!p0 $0xF7A, s2;
	p2 =	seq.s32 @!p0 s5, $0x0  }
0x1f: {  	s9 =	smul.u32 $0xF7A, s1;
	s8 =	simm.s32 @!p0 $0x1BF5;
	p2 =	por !p2, p0  }
0x20: {  	[sflag:s8] =	ssyncset.s32 @!p0 $0xFFFFF086;
	s6 =	sadd.s32 @!p0 s3, s7;
	s7 =	simm.s32 @!p0 $0x108  }
0x21: {  	s3 =	sadd.s32 s3, s9;
	s6 =	sadd.s32 @!p0 $0x88, s6;
	s7 =	simm.s32 @p2 $0x1082  }
0x22: {  	[simem:s7], [sflag:s8] =	dma.local @!p0 [hbm:s6], $0xF7A  }
0x23: {  	s9 =	sor.u32 $0xD0000000, s2;
	s6 =	simm.s32 $0x108;
	_ =	swait.ge @!p0 [sflag:s8], $0x0  }
0x24: {  	s3 =	sadd.s32 $0x88, s3;
	s6 =	simm.s32 @!p1 $0x1082;
	[sflag:s4] =	ssyncset.s32 $0xFFFFF086  }
0x25: {  	[simem:s6], [sflag:s4] =	dma.local [hbm:s3], $0xF7A  }
0x26: {  	[smem:$0x3F99] =	sst s1;
	(tag) =	ssettag s2;
	_ =	strace s9  }
0x27: {  	s1 =	sld [smem:$0x3FA9]  }
0x28: {  	s2 =	sld [smem:$0x3FAA]  }
0x29: {  	s4 =	sld [smem:$0x3FAC]  }
0x2a: {  	p0 =	seq.s32 s5, $0x0;
	s5 =	sld [smem:$0x3FAD]  }
0x2b: {  	s6 =	sld [smem:$0x3FAE]  }
0x2c: {  	s7 =	sld [smem:$0x3FAF]  }
0x2d: {  	s3 =	simm.s32 $0x108;
	s8 =	sld [smem:$0x3FB0]  }
0x2e: {  	s3 =	simm.s32 @!p0 $0x1082;
	s9 =	sld [smem:$0x3FB1]  }
0x2f: {  	lr =	sadd.s32 s0, s3;
	s0 =	sld [smem:$0x3FA8]  }
0x30: {  	s3 =	sld [smem:$0x3FAB]  }
0x31: {  	[smem:$0x3FB4] =	sst s10  }
0x32: {  	s10 =	sld [smem:$0x3FB2];
	_ =	sdelay $0x3  }
0x33: {  	p0 =	seq.s32 s10, $0x1;
	s10 =	sld [smem:$0x3FB4];
	_ =	sdelay $0x3  }
0x34: {  	[smem:$0x3FB4] =	sst s10  }
0x35: {  	s10 =	sld [smem:$0x3FB3];
	_ =	sdelay $0x3  }
0x36: {  	p1 =	seq.s32 s10, $0x1;
	s10 =	sld [smem:$0x3FB4];
	_ =	sdelay $0x3  }
0x37: {  	[smem:$0x3FB4] =	sst s10  }
0x38: {  	s10 =	sld [smem:$0x3FB5]  }
0x39: {  	_ = 	snop;
	(pc) =	sbr.ind lr, $3  }
0x3a: {  	_ = 	snop  }
0x3b: {  	_ = 	snop  }
0x3c: {  	p2 =	seq.s32 s10, $0x1;
	s10 =	sld [smem:$0x3FB4]  }
0x3d: {  	_ =	shalt  }
0x3e: {  	_ =	shalt  }
0x3f: {  	_ =	shalt  }
0x40: {  	_ =	shalt  }
0x41: {  	_ =	shalt  }
0x42: {  	_ =	shalt  }
0x43: {  	_ =	shalt  }
0x44: {  	_ =	shalt  }
0x45: {  	_ =	shalt  }
0x46: {  	_ =	shalt  }
0x47: {  	_ =	shalt  }
0x48: {  	_ =	shalt  }
0x49: {  	_ =	shalt  }
0x4a: {  	_ =	shalt  }
0x4b: {  	_ =	shalt  }
0x4c: {  	_ =	shalt  }
0x4d: {  	_ =	shalt  }
0x4e: {  	_ =	shalt  }
0x4f: {  	_ =	shalt  }
0x50: {  	_ =	shalt  }
0x51: {  	_ =	shalt  }
0x52: {  	_ =	shalt  }
0x53: {  	_ =	shalt  }
0x54: {  	_ =	shalt  }
0x55: {  	_ =	shalt  }
0x56: {  	_ =	shalt  }
0x57: {  	_ =	shalt  }
0x58: {  	_ =	shalt  }
0x59: {  	_ =	shalt  }
0x5a: {  	_ =	shalt  }
0x5b: {  	_ =	shalt  }
0x5c: {  	_ =	shalt  }
0x5d: {  	_ =	shalt  }
0x5e: {  	_ =	shalt  }
0x5f: {  	_ =	shalt  }
0x60: {  	_ =	shalt  }
0x61: {  	_ =	shalt  }
0x62: {  	_ =	shalt  }
0x63: {  	_ =	shalt  }
0x64: {  	_ =	shalt  }
0x65: {  	_ =	shalt  }
0x66: {  	_ =	shalt  }
0x67: {  	_ =	shalt  }
0x68: {  	_ =	shalt  }
0x69: {  	_ =	shalt  }
0x6a: {  	_ =	shalt  }
0x6b: {  	_ =	shalt  }
0x6c: {  	_ =	shalt  }
0x6d: {  	_ =	shalt  }
0x6e: {  	_ =	shalt  }
0x6f: {  	_ =	shalt  }
0x70: {  	_ =	shalt  }
0x71: {  	_ =	shalt  }
0x72: {  	_ =	shalt  }
0x73: {  	_ =	shalt  }
0x74: {  	_ =	shalt  }
0x75: {  	_ =	shalt  }
0x76: {  	_ =	shalt  }
0x77: {  	_ =	shalt  }
0x78: {  	_ =	shalt  }
0x79: {  	_ =	shalt  }
0x7a: {  	_ =	shalt  }
0x7b: {  	_ =	shalt  }
0x7c: {  	_ =	shalt  }
0x7d: {  	_ =	shalt  }
0x7e: {  	_ =	shalt  }
0x7f: {  	_ =	shalt  }
0x80: {  	_ =	shalt  }
0x81: {  	_ =	shalt  }
0x82: {  	_ =	shalt  }
0x83: {  	_ =	shalt  }
0x84: {  	_ =	shalt  }
0x85: {  	_ =	shalt  }
0x86: {  	_ =	shalt  }
0x87: {  	_ =	shalt  }
.Lfunc_end0:
.L_simem_size_0:
called_computation_lowered:
.L_overlay_start_0:
0x88: {  	s2 =	sld [smem:$0x3FD9]  }
0x89: {  	s3 =	sld [smem:$0x3FFE];
	_ =	sdelay $0x1  }
0x8a: {  	s1 =	srdreg.scid  }
0x8b: {  	s0 =	sand.u32 $0x1, s1  }
0x8c: {  	s17 =	sshll.u32 s0, $0xA;
	s2 =	sadd.s32 s3, s2  }
0x8d: {  	s2 =	sadd.s32 s2, s17  }
0x8e: {  	[smem:$0x3FC0] =	sst s2  }
0x8f: {  	_ = 	snop  }
0x90: {  	s2 =	sld [smem:$0x3FD0];
	(tm) =	ssettm $0x1  }
0x91: {  	s18 =	sld [smem:$0x3FFB];
	_ =	sdelay $0x3  }
0x92: {  	_ =	strace s18  }
0x93: {  	s3 =	sld [smem:$0x3FFC];
	_ =	sdelay $0x3  }
0x94: {  	_ =	strace s3  }
0x95: {  	s3 =	sld [smem:$0x3FFD];
	_ =	sdelay $0x3  }
0x96: {  	_ =	strace s3  }
0x97: {  	_ =	strace $0x8FFFFFFF  }
0x98: {  	s19 =	sld [smem:$0x3FDB];
	_ =	sdelay $0x1  }
0x99: {  	s4 =	simm.s32 $_scs_section_size  }
0x9a: {  	s5 =	simm.s32 $_size__tile_overlayer_lowered;
	s6 =	simm.s32 $_tile_overlayer_lowered  }
0x9b: {  	s22 =	simm.s32 $0x1BFF;
	s21 =	sshll.u32 s6, $0x1;
	s3 =	sadd.s32 s4, s19  }
0x9c: {  	s7 =	simm.s32 $0x0;
	s20 =	sshll.u32 s5, $0x1;
	s5 =	sadd.s32 s21, s3  }
0x9d: {  	[timem:s7], [sflag:s22] =	dma.local [hbm:s5], s20  }
0x9e: {  	_ =	swait.ge [sflag:s22], s20  }
0x9f: {  	s4 =	ssub.s32 $0x0, s20;
	[sflag:s22] =	ssyncset.done $0x0  }
0xa0: {  	[sflag:s22] =	ssyncadd.s32 s4;
	_ =	sdelay $0x1  }
0xa1: {  	s23 =	simm.s32 $0x1B8B  }
0xa2: {  	_ =	swait.ge [sflag:s23], $0x1  }
0xa3: {  	[sflag:s23] =	ssyncset.done $0x0  }
0xa4: {  	s25 =	simm.s32 $0x1B8E;
	s24 =	sld [smem:$0x3FFE];
	[sflag:s23] =	ssyncadd.s32 $0xFFFFFFFF  }
0xa5: {  	s26 =	simm.s32 $execute0_lowered;
	[smem:$0x3FD2] =	sst s25  }
0xa6: {  	s5 =	sshll.u32 s26, $0x1;
	_ =	strace $0x80000046;
	[dreg:$0x1] =	wrdreg $0xFFFFFFFF  }
0xa7: {  	s28 =	simm.s32 $_size_execute0_lowered;
	s3 =	sadd.s32 s3, s5;
	[dreg:$0x0] =	wrdreg $0x0  }
0xa8: {  	s5 =	sshll.u32 s28, $0x1;
	[dreg:$0x2] =	wrdreg s3  }
0xa9: {  	[dreg:$0x3] =	wrdreg s5  }
0xaa: {  	[dreg:$0x4] =	wrdreg $0xC0  }
0xab: {  	_ =	task [dreg:s7], $0x5FFFF  }
0xac: {  	[dreg:$0x1] =	wrdreg $0xFFFFFFFF  }
0xad: {  	[dreg:$0x0] =	wrdreg $0x60  }
0xae: {  	[dreg:$0x2] =	wrdreg s24  }
0xaf: {  	[dreg:$0x3] =	wrdreg s2  }
0xb0: {  	[dreg:$0x4] =	wrdreg $0x28800  }
0xb1: {  	[dreg:$0x5] =	wrdreg $0x9  }
0xb2: {  	_ =	task.clear_ibuf [dreg:s7], $0x6FFFF;
	_ =	strace $0x90000046  }
0xb3: {  	s29 =	simm.s32 $0x9;
	_ =	strace $0x80000048  }
0xb4: {  	_ =	swait.ge [sflag:s29], $0x1  }
0xb5: {  	[sflag:s29] =	ssyncadd.s32 $0xFFFFFFFF  }
0xb6: {  	_ =	strace $0x90000048  }
0xb7: {  	_ =	sfence  }
0xb8: {  	s30 =	sld [smem:$0x0];
	_ =	sdelay $0x2  }
0xb9: {  	s31 =	sshll.u32 s1, $0xD;
	s1 =	sshrl.u32 s1, $0x2  }
0xba: {  	s3 =	sand.u32 $0x4000, s31;
	s1 =	sadd.s32 s1, s30  }
0xbb: {  	s0 =	sor.u32 s3, s0;
	s1 =	sshll.u32 s1, $0x11  }
0xbc: {  	s0 =	sor.u32 s1, s0  }
0xbd: {  	s0 =	sadd.s32 $0x8F2B, s0  }
0xbe: {  	[sflag:s0] =	ssyncadd.remote.s32 $0x1  }
0xbf: {  	_ =	sfence.sel $0xFFFF  }
0xc0: {  	[dreg:$0x0] =	wrdreg $0xFFFFFFFF;
	(pc) =	sbr.abs _section_cstart, $3  }
0xc1: {  	[dreg:$0x1] =	wrdreg $0xFFFFFFFF  }
0xc2: {  	_ =	task.clear_ibuf [dreg:s7], $0x2FFFF;
	_ =	strace $0x9FFFFFFF  }
0xc3: {  	(tm) =	ssettm $0x7FFFFFFF  }
tec
execute0_lowered:
.L_overlay_start_1:
0x0: {  	(tag) =	ssettag $0x1  }
0x1: {  	s6 =	rddreg [dreg:$0x0]  }
0x2: {  	s9 =	rddreg [dreg:$0x1]  }
0x3: {  	s2 =	rddreg [dreg:$0x2]  }
0x4: {  	s0 =	rddreg [dreg:$0x3];
	s1 =	stileid.u32  }
0x5: {  	s4 =	srdreg.scid;
	s3 =	simm.s32 $0x0;
	s10 =	smul.u32 $0x9C4, s1  }
0x6: {  	s15 =	simm.s32 $0x0;
	s7 =	sand.u32 $0x1, s4;
	s11 =	smul.u32 $0x14000, s1  }
0x7: {  	[smem:$0x7FF] =	sst s3;
	s4 =	sadd.s32 $0x11400, s6;
	s13 =	smul.u32 $0x50000, s1  }
0x8: {  	s5 =	sadd.s32 $0xEC00, s6;
	s31 =	sshll.u32 s1, $0x6;
	s8 =	smul.u32 $0x140000, s7  }
0x9: {  	_ =	strace $0x80000047;
	s29 =	ssub.s32 $0x2, s7;
	p0 =	seq.s32 s7, $0x1  }
0xa: {  	s12 =	sadd.s32 s10, s6;
	s14 =	sshrl.u32 s29, $0x1;
	s13 =	sshrl.u32 s13, $0x2  }
.Ltmp0:
0xb: {  	s9 =	sadd.s32 s10, s9;
	s10 =	simm.s32 $0x80;
	(pc) =	sbr.rel .LBB2_1-.Ltmp0, $4  }
0xc: {  	s8 =	sadd.s32 s11, s8;
	s30 =	ssub.s32 s29, s14;
	s13 =	sadd.s32 s13, s2  }
0xd: {  	s11 =	simm.s32 $0x1;
	s14 =	simm.s32 $0x50;
	s8 =	sshrl.u32 s8, $0x3  }
0xe: {  	s7 =	smax.u32 s30, $0x1;
	s13 =	sshrl.u32 s13, $0x3;
	s6 =	sadd.s32 s8, s6  }
0xf: {  	s8 =	sadd.s32 $0x4E00, s12;
	s12 =	sor.u32 $0x1C01, s31;
	s6 =	sadd.s32 $0x11A00, s6  }
.LBB2_7:
0x10: {  	s16 =	sadd.s32 s16, s9;
	[sflag:s11] =	ssyncadd.s32 $0xFFFFD800  }
0x11: {  	[tilespmem:s3], [sflag:$0x1] =	stream.linear.gather [hbm4b:s16+s3], $0x50, $0x38;
	[tilespmem:$0x16880] =	vst v63  }
0x12: {  	_ =	swait.ge [sflag:s11], $0x50  }
0x13: {  	[sflag:s11] =	ssyncset.done $0x0  }
0x14: {  	[sflag:s11] =	ssyncadd.s32 $0xFFFFFFB0  }
0x15: {  	[spmem:s2] =	stream.indirect.scatter.add.f32 [tilespmem:s10], [sflag:$0x1], $0x80, s3, s14, $0xb8;
	[tilespmem:$0x16880] =	vst v63  }
0x16: {  	_ =	swait.ge [sflag:s11], $0x2800  }
0x17: {  	[sflag:s11] =	ssyncset.done $0x0  }
0x18: {  	[sflag:s11] =	ssyncadd.s32 $0xFFFFD800  }
.LBB2_8:
0x19: {  	s15 =	sadd.s32 $0x1, s15  }
0x1a: {  	p1 =	sne.s32 s15, s7  }
.Ltmp1:
0x1b: {  	[bflag:$0x0] =	sbarrier.arrive $0xFFFF;
	(pc) =	sbr.rel @!p1 .LBB2_9-.Ltmp1, $4  }
0x1c: {  	[hbm:s6], [sflag:s12] =	dma.local [spmem:s13], $0x2800  }
0x1d: {  	_ =	swait.ge [sflag:s11], $0x2800  }
0x1e: {  	[sflag:s11] =	ssyncset.done $0x0  }
0x1f: {  	[sflag:s11] =	ssyncadd.s32 $0xFFFFD800  }
.LBB2_1:
0x20: {  	[tilespmem:s10], [sflag:$0x1] =	stream.linear.gather [hbm4b:s4+s3], $0x2800, $0x38;
	[tilespmem:$0x16880] =	vst v63  }
0x21: {  	_ =	swait.ge [sflag:s11], $0x2800  }
0x22: {  	[sflag:s11] =	ssyncset.done $0x0  }
0x23: {  	[sflag:s11] =	ssyncadd.s32 $0xFFFFD800  }
0x24: {  	[spmem:s13], [sflag:s12] =	dma.local [hbm:s5], $0x2800  }
.Ltmp2:
0x25: {  	_ =	swait.ge [sflag:s11], $0x2800;
	(pc) =	sbr.rel @!p0 .LBB2_2-.Ltmp2, $3  }
0x26: {  	[sflag:s11] =	ssyncset.done $0x0  }
0x27: {  	[sflag:s11] =	ssyncadd.s32 $0xFFFFD800  }
0x28: {  	[bflag:$0x0] =	sbarrier.arrive $0xFFFF;
	_ =	sdelay $0x1  }
0x29: {  	s16 =	sadd.s32 $0x0, s9  }
0x2a: {  	[tilespmem:s3], [sflag:$0x1] =	stream.linear.gather [hbm4b:s16+s3], $0x50, $0x38;
	[tilespmem:$0x16880] =	vst v63  }
0x2b: {  	_ =	swait.ge [sflag:s11], $0x50  }
0x2c: {  	[sflag:s11] =	ssyncset.done $0x0  }
0x2d: {  	[sflag:s11] =	ssyncadd.s32 $0xFFFFFFB0  }
0x2e: {  	[spmem:s2] =	stream.indirect.scatter.add.f32 [tilespmem:s10], [sflag:$0x1], $0x80, s3, s14, $0xb8;
	[tilespmem:$0x16880] =	vst v63  }
0x2f: {  	_ =	swait.ge [sflag:s11], $0x2800  }
0x30: {  	s17 =	simm.s32 $0x14;
	s16 =	simm.s32 $0xA;
	[sflag:s11] =	ssyncset.done $0x0  }
.LBB2_6:
0x31: {  	s18 =	sadd.s32 s16, s9  }
0x32: {  	[sflag:s11] =	ssyncadd.s32 $0xFFFFD800;
	s16 =	smov.u32 s17;
	s19 =	sadd.s32 $0xA, s17  }
0x33: {  	[tilespmem:s3], [sflag:$0x1] =	stream.linear.gather [hbm4b:s18+s3], $0x50, $0x38;
	[tilespmem:$0x16880] =	vst v63  }
0x34: {  	p1 =	sne.s32 s17, $0x9BA;
	_ =	swait.ge [sflag:s11], $0x50  }
.Ltmp3:
0x35: {  	[sflag:s11] =	ssyncset.done $0x0;
	(pc) =	sbr.rel @p1 .LBB2_6-.Ltmp3, $4  }
0x36: {  	[sflag:s11] =	ssyncadd.s32 $0xFFFFFFB0  }
0x37: {  	[spmem:s2] =	stream.indirect.scatter.add.f32 [tilespmem:s10], [sflag:$0x1], $0x80, s3, s14, $0xb8;
	[tilespmem:$0x16880] =	vst v63  }
0x38: {  	_ =	swait.ge [sflag:s11], $0x2800  }
0x39: {  	s17 =	smov.u32 s19;
	[sflag:s11] =	ssyncset.done $0x0  }
.Ltmp4:
0x3a: {  	_ = 	snop;
	(pc) =	sbr.rel .LBB2_7-.Ltmp4, $1  }
0x3b: {  	_ =	sdelay $0x3  }
.LBB2_2:
0x3c: {  	s16 =	sadd.s32 $0x0, s8  }
0x3d: {  	[tilespmem:s3], [sflag:$0x1] =	stream.linear.gather [hbm4b:s16+s3], $0x50, $0x38;
	[tilespmem:$0x16880] =	vst v63  }
0x3e: {  	_ =	swait.ge [sflag:s11], $0x50  }
0x3f: {  	[sflag:s11] =	ssyncset.done $0x0  }
0x40: {  	[sflag:s11] =	ssyncadd.s32 $0xFFFFFFB0  }
0x41: {  	[spmem:s2] =	stream.indirect.scatter.add.f32 [tilespmem:s10], [sflag:$0x1], $0x80, s3, s14, $0xb8;
	[tilespmem:$0x16880] =	vst v63  }
0x42: {  	_ =	swait.ge [sflag:s11], $0x2800  }
0x43: {  	s17 =	simm.s32 $0x14;
	s16 =	simm.s32 $0xA;
	[sflag:s11] =	ssyncset.done $0x0  }
.LBB2_3:
0x44: {  	s18 =	sadd.s32 s16, s8  }
0x45: {  	[sflag:s11] =	ssyncadd.s32 $0xFFFFD800;
	s16 =	smov.u32 s17;
	s19 =	sadd.s32 $0xA, s17  }
0x46: {  	[tilespmem:s3], [sflag:$0x1] =	stream.linear.gather [hbm4b:s18+s3], $0x50, $0x38;
	[tilespmem:$0x16880] =	vst v63  }
0x47: {  	p1 =	seq.s32 s17, $0x9BA;
	_ =	swait.ge [sflag:s11], $0x50  }
.Ltmp5:
0x48: {  	[sflag:s11] =	ssyncset.done $0x0;
	(pc) =	sbr.rel @!p1 .LBB2_3-.Ltmp5, $4  }
0x49: {  	[sflag:s11] =	ssyncadd.s32 $0xFFFFFFB0  }
0x4a: {  	[spmem:s2] =	stream.indirect.scatter.add.f32 [tilespmem:s10], [sflag:$0x1], $0x80, s3, s14, $0xb8;
	[tilespmem:$0x16880] =	vst v63  }
0x4b: {  	_ =	swait.ge [sflag:s11], $0x2800  }
0x4c: {  	s17 =	smov.u32 s19;
	[sflag:s11] =	ssyncset.done $0x0  }
0x4d: {  	s16 =	sadd.s32 s16, s8;
	[sflag:s11] =	ssyncadd.s32 $0xFFFFD800  }
0x4e: {  	[tilespmem:s3], [sflag:$0x1] =	stream.linear.gather [hbm4b:s16+s3], $0x50, $0x38;
	[tilespmem:$0x16880] =	vst v63  }
0x4f: {  	_ =	swait.ge [sflag:s11], $0x50  }
0x50: {  	[sflag:s11] =	ssyncset.done $0x0  }
.Ltmp6:
0x51: {  	[sflag:s11] =	ssyncadd.s32 $0xFFFFFFB0;
	(pc) =	sbr.rel .LBB2_8-.Ltmp6, $4  }
0x52: {  	[spmem:s2] =	stream.indirect.scatter.add.f32 [tilespmem:s10], [sflag:$0x1], $0x80, s3, s14, $0xb8;
	[tilespmem:$0x16880] =	vst v63  }
0x53: {  	_ =	swait.ge [sflag:s11], $0x2800  }
0x54: {  	[sflag:s11] =	ssyncset.done $0x0  }
0x55: {  	[sflag:s11] =	ssyncadd.s32 $0xFFFFD800  }
.LBB2_9:
0x56: {  	_ =	sfence.sel $0x180000  }
0x57: {  	[bflag:$0x0] =	sbarrier.arrive $0xFFFF  }
0x58: {  	p0 =	sne.s32 s1, $0x0;
	_ =	strace $0x90000047  }
0x59: {  	s0 =	sadd.s32 @!p0 $0x100000, s0;
	[bflag:$0x2] =	sbarrier.arrive $0xFFFF  }
0x5a: {  	[sflag:s0] =	ssyncadd.tile.s32 @!p0 $0x1;
	_ =	shalt  }
.Lfunc_end2:
_tile_overlayer_lowered:
.L_overlay_start_2:
0x5b: {  	(tag) =	ssettag $0x2  }
0x5c: {  	s0 =	rddreg [dreg:$0x0];
	s2 =	stileid.u32  }
0x5d: {  	s1 =	rddreg [dreg:$0x1];
	p0 =	sne.s32 s2, $0x0  }
0x5e: {  	s3 =	rddreg [dreg:$0x2];
	[bflag:$0x3] =	sbarrier.arrive $0xFFFF;
	s2 =	simm.s32 @!p0 $0x1C01  }
0x5f: {  	[timem:s3], [sflag:s2] =	dma.local @!p0 [hbm:s0], s1  }
0x60: {  	s0 =	simm.s32 @!p0 $0x1  }
0x61: {  	_ =	swait.ge @!p0 [sflag:s0], s1  }
0x62: {  	s1 =	ssub.s32 @!p0 $0x0, s1;
	[sflag:s0] =	ssyncset.done @!p0 $0x0  }
0x63: {  	[sflag:s0] =	ssyncadd.s32 @!p0 s1  }
0x64: {  	[bflag:$0x3] =	sbarrier.arrive $0xFFFF  }
0x65: {  	_ =	shalt  }

// kernel: kernel.13.cloned.1.call-start
scs
__scs_entry_jumppad:
0x0: {  	(pc) =	sbr.rel $0x88, $3  }
0x1: {  	(tag) =	ssettag $0x0;
	lr =	simm.s32 $0x1  }
0x2: {  	[smem:$0x3F99] =	sst lr;
	_ =	strace $0xD0000000  }
0x3: {  	_ = 	snop  }
0x4: {  	_ = 	snop  }
0x5: {  	_ = 	snop  }
0x6: {  	_ = 	snop  }
0x7: {  	_ = 	snop  }
__scs_overlays_trampoline_lowered:
0x8: {  	[smem:$0x3FA8] =	sst s0  }
0x9: {  	[smem:$0x3FA9] =	sst s1  }
0xa: {  	[smem:$0x3FAA] =	sst s2  }
0xb: {  	[smem:$0x3FAB] =	sst s3  }
0xc: {  	[smem:$0x3FAC] =	sst s4  }
0xd: {  	[smem:$0x3FAD] =	sst s5  }
0xe: {  	[smem:$0x3FAE] =	sst s6  }
0xf: {  	[smem:$0x3FAF] =	sst s7  }
0x10: {  	[smem:$0x3FB0] =	sst s8  }
0x11: {  	[smem:$0x3FB1] =	sst s9;
	s0 =	simm.s32 @!p0 $0x0  }
0x12: {  	s1 =	sld [smem:$0x3F97];
	s0 =	simm.s32 @p0 $0x1  }
0x13: {  	[smem:$0x3FB2] =	sst s0;
	s0 =	simm.s32 @!p1 $0x0  }
0x14: {  	s2 =	sld [smem:$0x3F96];
	s0 =	simm.s32 @p1 $0x1  }
0x15: {  	[smem:$0x3FB3] =	sst s0;
	s0 =	simm.s32 @!p2 $0x0  }
0x16: {  	s3 =	sld [smem:$0x3FDB];
	s0 =	simm.s32 @p2 $0x1  }
0x17: {  	s4 =	simm.s32 $0x1BF5;
	[smem:$0x3FB5] =	sst s0  }
0x18: {  	s0 =	sld [smem:$0x3F98];
	_ =	swait.ge [sflag:s4], $0x0  }
0x19: {  	s7 =	sld [smem:$0x3F99]  }
0x1a: {  	s8 =	sadd.s32 $0xFFFFE003, lr  }
0x1b: {  	s9 =	sadd.s32 $0xFFFFFEF7, lr;
	s5 =	simm.s32 $0xFFFFFFFF;
	p2 =	slt.u32 s8, $0xFFFFF086  }
0x1c: {  	p1 =	slt.u32 s9, $0xF7A;
	s5 =	simm.s32 @!p2 $0x0  }
0x1d: {  	s5 =	simm.s32 @p1 $0x1;
	p0 =	seq.s32 s7, s2  }
0x1e: {  	s7 =	smul.u32 @!p0 $0xF7A, s2;
	p2 =	seq.s32 @!p0 s5, $0x0  }
0x1f: {  	s9 =	smul.u32 $0xF7A, s1;
	s8 =	simm.s32 @!p0 $0x1BF5;
	p2 =	por !p2, p0  }
0x20: {  	[sflag:s8] =	ssyncset.s32 @!p0 $0xFFFFF086;
	s6 =	sadd.s32 @!p0 s3, s7;
	s7 =	simm.s32 @!p0 $0x108  }
0x21: {  	s3 =	sadd.s32 s3, s9;
	s6 =	sadd.s32 @!p0 $0x88, s6;
	s7 =	simm.s32 @p2 $0x1082  }
0x22: {  	[simem:s7], [sflag:s8] =	dma.local @!p0 [hbm:s6], $0xF7A  }
0x23: {  	s9 =	sor.u32 $0xD0000000, s2;
	s6 =	simm.s32 $0x108;
	_ =	swait.ge @!p0 [sflag:s8], $0x0  }
0x24: {  	s3 =	sadd.s32 $0x88, s3;
	s6 =	simm.s32 @!p1 $0x1082;
	[sflag:s4] =	ssyncset.s32 $0xFFFFF086  }
0x25: {  	[simem:s6], [sflag:s4] =	dma.local [hbm:s3], $0xF7A  }
0x26: {  	[smem:$0x3F99] =	sst s1;
	(tag) =	ssettag s2;
	_ =	strace s9  }
0x27: {  	s1 =	sld [smem:$0x3FA9]  }
0x28: {  	s2 =	sld [smem:$0x3FAA]  }
0x29: {  	s4 =	sld [smem:$0x3FAC]  }
0x2a: {  	p0 =	seq.s32 s5, $0x0;
	s5 =	sld [smem:$0x3FAD]  }
0x2b: {  	s6 =	sld [smem:$0x3FAE]  }
0x2c: {  	s7 =	sld [smem:$0x3FAF]  }
0x2d: {  	s3 =	simm.s32 $0x108;
	s8 =	sld [smem:$0x3FB0]  }
0x2e: {  	s3 =	simm.s32 @!p0 $0x1082;
	s9 =	sld [smem:$0x3FB1]  }
0x2f: {  	lr =	sadd.s32 s0, s3;
	s0 =	sld [smem:$0x3FA8]  }
0x30: {  	s3 =	sld [smem:$0x3FAB]  }
0x31: {  	[smem:$0x3FB4] =	sst s10  }
0x32: {  	s10 =	sld [smem:$0x3FB2];
	_ =	sdelay $0x3  }
0x33: {  	p0 =	seq.s32 s10, $0x1;
	s10 =	sld [smem:$0x3FB4];
	_ =	sdelay $0x3  }
0x34: {  	[smem:$0x3FB4] =	sst s10  }
0x35: {  	s10 =	sld [smem:$0x3FB3];
	_ =	sdelay $0x3  }
0x36: {  	p1 =	seq.s32 s10, $0x1;
	s10 =	sld [smem:$0x3FB4];
	_ =	sdelay $0x3  }
0x37: {  	[smem:$0x3FB4] =	sst s10  }
0x38: {  	s10 =	sld [smem:$0x3FB5]  }
0x39: {  	_ = 	snop;
	(pc) =	sbr.ind lr, $3  }
0x3a: {  	_ = 	snop  }
0x3b: {  	_ = 	snop  }
0x3c: {  	p2 =	seq.s32 s10, $0x1;
	s10 =	sld [smem:$0x3FB4]  }
0x3d: {  	_ =	shalt  }
0x3e: {  	_ =	shalt  }
0x3f: {  	_ =	shalt  }
0x40: {  	_ =	shalt  }
0x41: {  	_ =	shalt  }
0x42: {  	_ =	shalt  }
0x43: {  	_ =	shalt  }
0x44: {  	_ =	shalt  }
0x45: {  	_ =	shalt  }
0x46: {  	_ =	shalt  }
0x47: {  	_ =	shalt  }
0x48: {  	_ =	shalt  }
0x49: {  	_ =	shalt  }
0x4a: {  	_ =	shalt  }
0x4b: {  	_ =	shalt  }
0x4c: {  	_ =	shalt  }
0x4d: {  	_ =	shalt  }
0x4e: {  	_ =	shalt  }
0x4f: {  	_ =	shalt  }
0x50: {  	_ =	shalt  }
0x51: {  	_ =	shalt  }
0x52: {  	_ =	shalt  }
0x53: {  	_ =	shalt  }
0x54: {  	_ =	shalt  }
0x55: {  	_ =	shalt  }
0x56: {  	_ =	shalt  }
0x57: {  	_ =	shalt  }
0x58: {  	_ =	shalt  }
0x59: {  	_ =	shalt  }
0x5a: {  	_ =	shalt  }
0x5b: {  	_ =	shalt  }
0x5c: {  	_ =	shalt  }
0x5d: {  	_ =	shalt  }
0x5e: {  	_ =	shalt  }
0x5f: {  	_ =	shalt  }
0x60: {  	_ =	shalt  }
0x61: {  	_ =	shalt  }
0x62: {  	_ =	shalt  }
0x63: {  	_ =	shalt  }
0x64: {  	_ =	shalt  }
0x65: {  	_ =	shalt  }
0x66: {  	_ =	shalt  }
0x67: {  	_ =	shalt  }
0x68: {  	_ =	shalt  }
0x69: {  	_ =	shalt  }
0x6a: {  	_ =	shalt  }
0x6b: {  	_ =	shalt  }
0x6c: {  	_ =	shalt  }
0x6d: {  	_ =	shalt  }
0x6e: {  	_ =	shalt  }
0x6f: {  	_ =	shalt  }
0x70: {  	_ =	shalt  }
0x71: {  	_ =	shalt  }
0x72: {  	_ =	shalt  }
0x73: {  	_ =	shalt  }
0x74: {  	_ =	shalt  }
0x75: {  	_ =	shalt  }
0x76: {  	_ =	shalt  }
0x77: {  	_ =	shalt  }
0x78: {  	_ =	shalt  }
0x79: {  	_ =	shalt  }
0x7a: {  	_ =	shalt  }
0x7b: {  	_ =	shalt  }
0x7c: {  	_ =	shalt  }
0x7d: {  	_ =	shalt  }
0x7e: {  	_ =	shalt  }
0x7f: {  	_ =	shalt  }
0x80: {  	_ =	shalt  }
0x81: {  	_ =	shalt  }
0x82: {  	_ =	shalt  }
0x83: {  	_ =	shalt  }
0x84: {  	_ =	shalt  }
0x85: {  	_ =	shalt  }
0x86: {  	_ =	shalt  }
0x87: {  	_ =	shalt  }
.Lfunc_end0:
.L_simem_size_0:
called_computation.1_lowered:
.L_overlay_start_0:
0x88: {  	s2 =	sld [smem:$0x3FD9]  }
0x89: {  	s3 =	sld [smem:$0x3FFE];
	_ =	sdelay $0x1  }
0x8a: {  	s1 =	srdreg.scid  }
0x8b: {  	s0 =	sand.u32 $0x1, s1  }
0x8c: {  	s17 =	sshll.u32 s0, $0xA;
	s2 =	sadd.s32 s3, s2  }
0x8d: {  	s2 =	sadd.s32 s2, s17  }
0x8e: {  	[smem:$0x3FC0] =	sst s2  }
0x8f: {  	_ = 	snop  }
0x90: {  	s2 =	sld [smem:$0x3FD0];
	(tm) =	ssettm $0x1  }
0x91: {  	s18 =	sld [smem:$0x3FFB];
	_ =	sdelay $0x3  }
0x92: {  	_ =	strace s18  }
0x93: {  	s3 =	sld [smem:$0x3FFC];
	_ =	sdelay $0x3  }
0x94: {  	_ =	strace s3  }
0x95: {  	s3 =	sld [smem:$0x3FFD];
	_ =	sdelay $0x3  }
0x96: {  	_ =	strace s3  }
0x97: {  	_ =	strace $0x8FFFFFFF  }
0x98: {  	s19 =	sld [smem:$0x3FDB];
	_ =	sdelay $0x1  }
0x99: {  	s4 =	simm.s32 $_scs_section_size  }
0x9a: {  	s5 =	simm.s32 $_size__tile_overlayer_lowered;
	s6 =	simm.s32 $_tile_overlayer_lowered  }
0x9b: {  	s22 =	simm.s32 $0x1BFF;
	s21 =	sshll.u32 s6, $0x1;
	s3 =	sadd.s32 s4, s19  }
0x9c: {  	s7 =	simm.s32 $0x0;
	s20 =	sshll.u32 s5, $0x1;
	s5 =	sadd.s32 s21, s3  }
0x9d: {  	[timem:s7], [sflag:s22] =	dma.local [hbm:s5], s20  }
0x9e: {  	_ =	swait.ge [sflag:s22], s20  }
0x9f: {  	s4 =	ssub.s32 $0x0, s20;
	[sflag:s22] =	ssyncset.done $0x0  }
0xa0: {  	[sflag:s22] =	ssyncadd.s32 s4;
	_ =	sdelay $0x1  }
0xa1: {  	s23 =	simm.s32 $0x1B8B  }
0xa2: {  	_ =	swait.ge [sflag:s23], $0x1  }
0xa3: {  	[sflag:s23] =	ssyncset.done $0x0  }
0xa4: {  	s25 =	simm.s32 $0x1B8E;
	s24 =	sld [smem:$0x3FFE];
	[sflag:s23] =	ssyncadd.s32 $0xFFFFFFFF  }
0xa5: {  	s26 =	simm.s32 $execute0_lowered;
	[smem:$0x3FD2] =	sst s25  }
0xa6: {  	s5 =	sshll.u32 s26, $0x1;
	_ =	strace $0x80000049;
	[dreg:$0x1] =	wrdreg $0xFFFFFFFF  }
0xa7: {  	s28 =	simm.s32 $_size_execute0_lowered;
	s3 =	sadd.s32 s3, s5;
	[dreg:$0x0] =	wrdreg $0x0  }
0xa8: {  	s5 =	sshll.u32 s28, $0x1;
	[dreg:$0x2] =	wrdreg s3  }
0xa9: {  	[dreg:$0x3] =	wrdreg s5  }
0xaa: {  	[dreg:$0x4] =	wrdreg $0xC0  }
0xab: {  	_ =	task [dreg:s7], $0x5FFFF  }
0xac: {  	[dreg:$0x1] =	wrdreg $0xFFFFFFFF  }
0xad: {  	[dreg:$0x0] =	wrdreg $0x60  }
0xae: {  	[dreg:$0x2] =	wrdreg s24  }
0xaf: {  	[dreg:$0x3] =	wrdreg s2  }
0xb0: {  	[dreg:$0x4] =	wrdreg $0x29000  }
0xb1: {  	[dreg:$0x5] =	wrdreg $0x9  }
0xb2: {  	_ =	task.clear_ibuf [dreg:s7], $0x6FFFF;
	_ =	strace $0x90000049  }
0xb3: {  	s29 =	simm.s32 $0x9;
	_ =	strace $0x8000004B  }
0xb4: {  	_ =	swait.ge [sflag:s29], $0x1  }
0xb5: {  	[sflag:s29] =	ssyncadd.s32 $0xFFFFFFFF  }
0xb6: {  	_ =	strace $0x9000004B  }
0xb7: {  	_ =	sfence  }
0xb8: {  	s30 =	sld [smem:$0x0];
	_ =	sdelay $0x2  }
0xb9: {  	s31 =	sshll.u32 s1, $0xD;
	s1 =	sshrl.u32 s1, $0x2  }
0xba: {  	s3 =	sand.u32 $0x4000, s31;
	s1 =	sadd.s32 s1, s30  }
0xbb: {  	s0 =	sor.u32 s3, s0;
	s1 =	sshll.u32 s1, $0x11  }
0xbc: {  	s0 =	sor.u32 s1, s0  }
0xbd: {  	s0 =	sadd.s32 $0x8F2B, s0  }
0xbe: {  	[sflag:s0] =	ssyncadd.remote.s32 $0x1  }
0xbf: {  	_ =	sfence.sel $0xFFFF  }
0xc0: {  	[dreg:$0x0] =	wrdreg $0xFFFFFFFF;
	(pc) =	sbr.abs _section_cstart, $3  }
0xc1: {  	[dreg:$0x1] =	wrdreg $0xFFFFFFFF  }
0xc2: {  	_ =	task.clear_ibuf [dreg:s7], $0x2FFFF;
	_ =	strace $0x9FFFFFFF  }
0xc3: {  	(tm) =	ssettm $0x7FFFFFFF  }
tec
execute0_lowered:
.L_overlay_start_1:
0x0: {  	(tag) =	ssettag $0x1  }
0x1: {  	s7 =	rddreg [dreg:$0x0]  }
0x2: {  	s11 =	rddreg [dreg:$0x1]  }
0x3: {  	s2 =	rddreg [dreg:$0x2]  }
0x4: {  	s0 =	rddreg [dreg:$0x3];
	s3 =	simm.s32 $0x0;
	s1 =	stileid.u32  }
0x5: {  	s5 =	srdreg.scid;
	s16 =	simm.s32 $0x2;
	s17 =	simm.s32 $0x80  }
0x6: {  	s18 =	simm.s32 $0x50;
	s19 =	simm.s32 $0x100;
	s20 =	simm.s32 $0x1  }
0x7: {  	s21 =	simm.s32 $0x0;
	[smem:$0x7FF] =	sst s3;
	s12 =	smul.u32 $0x4E2, s1  }
0x8: {  	s4 =	sadd.s32 $0x11400, s7;
	s9 =	sand.u32 $0x1, s5;
	s8 =	smul.u32 $0x50000, s1  }
0x9: {  	s5 =	sadd.s32 $0xEC00, s7;
	s6 =	sadd.s32 $0x89400, s7;
	s31 =	sshll.u32 s1, $0x6  }
0xa: {  	s10 =	ssub.s32 $0x2, s9;
	p0 =	seq.s32 s9, $0x1;
	s9 =	smul.u32 $0x2800, s1  }
.Ltmp0:
0xb: {  	_ =	strace $0x8000004A;
	s14 =	sadd.s32 s12, s7;
	(pc) =	sbr.rel .LBB2_1-.Ltmp0, $4  }
0xc: {  	s7 =	sadd.s32 $0xB1400, s7;
	s13 =	sshrl.u32 s10, $0x1;
	s8 =	sshrl.u32 s8, $0x2  }
0xd: {  	s11 =	sadd.s32 s12, s11;
	s10 =	ssub.s32 s10, s13;
	s15 =	sadd.s32 s8, s2  }
0xe: {  	s8 =	sor.u32 $0x1C02, s31;
	s12 =	sadd.s32 $0x4E00, s14;
	s13 =	sadd.s32 $0x4E20, s11  }
0xf: {  	s14 =	sadd.s32 $0x9C20, s14;
	s10 =	smax.u32 s10, $0x1;
	s15 =	sshrl.u32 s15, $0x3  }
.LBB2_7:
0x10: {  	s23 =	sadd.s32 s22, s14;
	[sflag:s16] =	ssyncadd.s32 $0xFFFFD800  }
0x11: {  	[tilespmem:s3], [sflag:$0x2] =	stream.linear.gather [hbm4b:s23+s3], $0x50, $0x38;
	[tilespmem:$0x16900] =	vst v63  }
0x12: {  	_ =	swait.ge [sflag:s16], $0x50  }
0x13: {  	[sflag:s16] =	ssyncset.done $0x0  }
0x14: {  	s31 =	sadd.s32 s22, s13;
	[sflag:s16] =	ssyncadd.s32 $0xFFFFFFB0  }
0x15: {  	[tilespmem:s17], [sflag:$0x2] =	stream.linear.gather [hbm4b:s31+s3], $0x50, $0x38;
	[tilespmem:$0x16900] =	vst v63  }
0x16: {  	_ =	swait.ge [sflag:s16], $0x50  }
0x17: {  	[sflag:s16] =	ssyncset.done $0x0  }
0x18: {  	[sflag:s16] =	ssyncadd.s32 $0xFFFFFFB0  }
0x19: {  	[tilespmem:s19], [sflag:$0x1] =	stream.indirect.gather [hbm4b:s4+s18], $0x80, s3, s18, $0xb8;
	[tilespmem:$0x16900] =	vst v63  }
0x1a: {  	_ =	swait.ge [sflag:s20], $0x2800  }
0x1b: {  	[sflag:s20] =	ssyncset.done $0x0  }
0x1c: {  	[sflag:s20] =	ssyncadd.s32 $0xFFFFD800  }
0x1d: {  	[spmem:s2] =	stream.indirect.scatter.add.f32 [tilespmem:s19], [sflag:$0x2], $0x80, s17, s18, $0xb8;
	[tilespmem:$0x16900] =	vst v63  }
0x1e: {  	_ =	swait.ge [sflag:s16], $0x2800  }
0x1f: {  	[sflag:s16] =	ssyncset.done $0x0  }
0x20: {  	s22 =	smov.u32 s7;
	[sflag:s16] =	ssyncadd.s32 $0xFFFFD800  }
.LBB2_8:
0x21: {  	s21 =	sadd.s32 $0x1, s21  }
0x22: {  	p1 =	sne.s32 s21, s10  }
.Ltmp1:
0x23: {  	s22 =	sadd.s32 s22, s9;
	[bflag:$0x0] =	sbarrier.arrive $0xFFFF;
	(pc) =	sbr.rel @!p1 .LBB2_9-.Ltmp1, $4  }
0x24: {  	[hbm:s22], [sflag:s8] =	dma.local [spmem:s15], $0x2800  }
0x25: {  	_ =	swait.ge [sflag:s16], $0x2800  }
0x26: {  	[sflag:s16] =	ssyncset.done $0x0  }
0x27: {  	[sflag:s16] =	ssyncadd.s32 $0xFFFFD800  }
.LBB2_1:
0x28: {  	[spmem:s15], [sflag:s8] =	dma.local [hbm:s5], $0x2800  }
.Ltmp2:
0x29: {  	_ =	swait.ge [sflag:s16], $0x2800;
	(pc) =	sbr.rel @!p0 .LBB2_2-.Ltmp2, $3  }
0x2a: {  	[sflag:s16] =	ssyncset.done $0x0  }
0x2b: {  	[sflag:s16] =	ssyncadd.s32 $0xFFFFD800  }
0x2c: {  	[bflag:$0x0] =	sbarrier.arrive $0xFFFF;
	_ =	sdelay $0x1  }
0x2d: {  	s22 =	sadd.s32 $0x0, s14  }
0x2e: {  	[tilespmem:s3], [sflag:$0x2] =	stream.linear.gather [hbm4b:s22+s3], $0x50, $0x38;
	[tilespmem:$0x16900] =	vst v63  }
0x2f: {  	_ =	swait.ge [sflag:s16], $0x50  }
0x30: {  	[sflag:s16] =	ssyncset.done $0x0  }
0x31: {  	s31 =	sadd.s32 $0x0, s13;
	[sflag:s16] =	ssyncadd.s32 $0xFFFFFFB0  }
0x32: {  	[tilespmem:s17], [sflag:$0x2] =	stream.linear.gather [hbm4b:s31+s3], $0x50, $0x38;
	[tilespmem:$0x16900] =	vst v63  }
0x33: {  	_ =	swait.ge [sflag:s16], $0x50  }
0x34: {  	[sflag:s16] =	ssyncset.done $0x0  }
0x35: {  	[sflag:s16] =	ssyncadd.s32 $0xFFFFFFB0  }
0x36: {  	[tilespmem:s19], [sflag:$0x1] =	stream.indirect.gather [hbm4b:s4+s18], $0x80, s3, s18, $0xb8;
	[tilespmem:$0x16900] =	vst v63  }
0x37: {  	_ =	swait.ge [sflag:s20], $0x2800  }
0x38: {  	[sflag:s20] =	ssyncset.done $0x0  }
0x39: {  	[sflag:s20] =	ssyncadd.s32 $0xFFFFD800  }
0x3a: {  	[spmem:s2] =	stream.indirect.scatter.add.f32 [tilespmem:s19], [sflag:$0x2], $0x80, s17, s18, $0xb8;
	[tilespmem:$0x16900] =	vst v63  }
0x3b: {  	_ =	swait.ge [sflag:s16], $0x2800  }
0x3c: {  	s23 =	simm.s32 $0x14;
	s22 =	simm.s32 $0xA;
	[sflag:s16] =	ssyncset.done $0x0  }
.LBB2_6:
0x3d: {  	s24 =	sadd.s32 s22, s14  }
0x3e: {  	[sflag:s16] =	ssyncadd.s32 $0xFFFFD800;
	s25 =	smov.u32 s23;
	s26 =	sadd.s32 $0xA, s23  }
0x3f: {  	[tilespmem:s3], [sflag:$0x2] =	stream.linear.gather [hbm4b:s24+s3], $0x50, $0x38;
	[tilespmem:$0x16900] =	vst v63  }
0x40: {  	p1 =	sne.s32 s23, $0x4D8;
	_ =	swait.ge [sflag:s16], $0x50  }
0x41: {  	[sflag:s16] =	ssyncset.done $0x0  }
0x42: {  	s23 =	sadd.s32 s22, s13;
	s22 =	smov.u32 s25;
	[sflag:s16] =	ssyncadd.s32 $0xFFFFFFB0  }
0x43: {  	[tilespmem:s17], [sflag:$0x2] =	stream.linear.gather [hbm4b:s23+s3], $0x50, $0x38;
	[tilespmem:$0x16900] =	vst v63  }
0x44: {  	_ =	swait.ge [sflag:s16], $0x50  }
0x45: {  	[sflag:s16] =	ssyncset.done $0x0  }
0x46: {  	[sflag:s16] =	ssyncadd.s32 $0xFFFFFFB0  }
0x47: {  	[tilespmem:s19], [sflag:$0x1] =	stream.indirect.gather [hbm4b:s4+s18], $0x80, s3, s18, $0xb8;
	[tilespmem:$0x16900] =	vst v63  }
0x48: {  	_ =	swait.ge [sflag:s20], $0x2800  }
.Ltmp3:
0x49: {  	[sflag:s20] =	ssyncset.done $0x0;
	(pc) =	sbr.rel @p1 .LBB2_6-.Ltmp3, $4  }
0x4a: {  	[sflag:s20] =	ssyncadd.s32 $0xFFFFD800  }
0x4b: {  	[spmem:s2] =	stream.indirect.scatter.add.f32 [tilespmem:s19], [sflag:$0x2], $0x80, s17, s18, $0xb8;
	[tilespmem:$0x16900] =	vst v63  }
0x4c: {  	_ =	swait.ge [sflag:s16], $0x2800  }
0x4d: {  	s23 =	smov.u32 s26;
	[sflag:s16] =	ssyncset.done $0x0  }
.Ltmp4:
0x4e: {  	_ = 	snop;
	(pc) =	sbr.rel .LBB2_7-.Ltmp4, $1  }
0x4f: {  	_ =	sdelay $0x3  }
.LBB2_2:
0x50: {  	s22 =	sadd.s32 $0x0, s12  }
0x51: {  	[tilespmem:s3], [sflag:$0x2] =	stream.linear.gather [hbm4b:s22+s3], $0x50, $0x38;
	[tilespmem:$0x16900] =	vst v63  }
0x52: {  	_ =	swait.ge [sflag:s16], $0x50  }
0x53: {  	[sflag:s16] =	ssyncset.done $0x0  }
0x54: {  	s31 =	sadd.s32 $0x0, s11;
	[sflag:s16] =	ssyncadd.s32 $0xFFFFFFB0  }
0x55: {  	[tilespmem:s17], [sflag:$0x2] =	stream.linear.gather [hbm4b:s31+s3], $0x50, $0x38;
	[tilespmem:$0x16900] =	vst v63  }
0x56: {  	_ =	swait.ge [sflag:s16], $0x50  }
0x57: {  	[sflag:s16] =	ssyncset.done $0x0  }
0x58: {  	[sflag:s16] =	ssyncadd.s32 $0xFFFFFFB0  }
0x59: {  	[tilespmem:s19], [sflag:$0x1] =	stream.indirect.gather [hbm4b:s4+s18], $0x80, s3, s18, $0xb8;
	[tilespmem:$0x16900] =	vst v63  }
0x5a: {  	_ =	swait.ge [sflag:s20], $0x2800  }
0x5b: {  	[sflag:s20] =	ssyncset.done $0x0  }
0x5c: {  	[sflag:s20] =	ssyncadd.s32 $0xFFFFD800  }
0x5d: {  	[spmem:s2] =	stream.indirect.scatter.add.f32 [tilespmem:s19], [sflag:$0x2], $0x80, s17, s18, $0xb8;
	[tilespmem:$0x16900] =	vst v63  }
0x5e: {  	_ =	swait.ge [sflag:s16], $0x2800  }
0x5f: {  	s23 =	simm.s32 $0x14;
	s22 =	simm.s32 $0xA;
	[sflag:s16] =	ssyncset.done $0x0  }
.LBB2_3:
0x60: {  	s24 =	sadd.s32 s22, s12  }
0x61: {  	[sflag:s16] =	ssyncadd.s32 $0xFFFFD800;
	s25 =	smov.u32 s23;
	s26 =	sadd.s32 $0xA, s23  }
0x62: {  	[tilespmem:s3], [sflag:$0x2] =	stream.linear.gather [hbm4b:s24+s3], $0x50, $0x38;
	[tilespmem:$0x16900] =	vst v63  }
0x63: {  	p1 =	seq.s32 s23, $0x4D8;
	_ =	swait.ge [sflag:s16], $0x50  }
0x64: {  	[sflag:s16] =	ssyncset.done $0x0  }
0x65: {  	s23 =	sadd.s32 s22, s11;
	s22 =	smov.u32 s25;
	[sflag:s16] =	ssyncadd.s32 $0xFFFFFFB0  }
0x66: {  	[tilespmem:s17], [sflag:$0x2] =	stream.linear.gather [hbm4b:s23+s3], $0x50, $0x38;
	[tilespmem:$0x16900] =	vst v63  }
0x67: {  	_ =	swait.ge [sflag:s16], $0x50  }
0x68: {  	[sflag:s16] =	ssyncset.done $0x0  }
0x69: {  	[sflag:s16] =	ssyncadd.s32 $0xFFFFFFB0  }
0x6a: {  	[tilespmem:s19], [sflag:$0x1] =	stream.indirect.gather [hbm4b:s4+s18], $0x80, s3, s18, $0xb8;
	[tilespmem:$0x16900] =	vst v63  }
0x6b: {  	_ =	swait.ge [sflag:s20], $0x2800  }
.Ltmp5:
0x6c: {  	[sflag:s20] =	ssyncset.done $0x0;
	(pc) =	sbr.rel @!p1 .LBB2_3-.Ltmp5, $4  }
0x6d: {  	[sflag:s20] =	ssyncadd.s32 $0xFFFFD800  }
0x6e: {  	[spmem:s2] =	stream.indirect.scatter.add.f32 [tilespmem:s19], [sflag:$0x2], $0x80, s17, s18, $0xb8;
	[tilespmem:$0x16900] =	vst v63  }
0x6f: {  	_ =	swait.ge [sflag:s16], $0x2800  }
0x70: {  	s23 =	smov.u32 s26;
	[sflag:s16] =	ssyncset.done $0x0  }
0x71: {  	s23 =	sadd.s32 s22, s12;
	[sflag:s16] =	ssyncadd.s32 $0xFFFFD800  }
0x72: {  	[tilespmem:s3], [sflag:$0x2] =	stream.linear.gather [hbm4b:s23+s3], $0x50, $0x38;
	[tilespmem:$0x16900] =	vst v63  }
0x73: {  	_ =	swait.ge [sflag:s16], $0x50  }
0x74: {  	[sflag:s16] =	ssyncset.done $0x0  }
0x75: {  	s31 =	sadd.s32 s22, s11;
	[sflag:s16] =	ssyncadd.s32 $0xFFFFFFB0  }
0x76: {  	[tilespmem:s17], [sflag:$0x2] =	stream.linear.gather [hbm4b:s31+s3], $0x50, $0x38;
	[tilespmem:$0x16900] =	vst v63  }
0x77: {  	_ =	swait.ge [sflag:s16], $0x50  }
0x78: {  	[sflag:s16] =	ssyncset.done $0x0  }
0x79: {  	[sflag:s16] =	ssyncadd.s32 $0xFFFFFFB0  }
0x7a: {  	[tilespmem:s19], [sflag:$0x1] =	stream.indirect.gather [hbm4b:s4+s18], $0x80, s3, s18, $0xb8;
	[tilespmem:$0x16900] =	vst v63  }
0x7b: {  	_ =	swait.ge [sflag:s20], $0x2800  }
0x7c: {  	[sflag:s20] =	ssyncset.done $0x0  }
.Ltmp6:
0x7d: {  	[sflag:s20] =	ssyncadd.s32 $0xFFFFD800;
	(pc) =	sbr.rel .LBB2_8-.Ltmp6, $4  }
0x7e: {  	[spmem:s2] =	stream.indirect.scatter.add.f32 [tilespmem:s19], [sflag:$0x2], $0x80, s17, s18, $0xb8;
	[tilespmem:$0x16900] =	vst v63  }
0x7f: {  	_ =	swait.ge [sflag:s16], $0x2800  }
0x80: {  	[sflag:s16] =	ssyncset.done $0x0  }
0x81: {  	s22 =	smov.u32 s6;
	[sflag:s16] =	ssyncadd.s32 $0xFFFFD800  }
.LBB2_9:
0x82: {  	_ =	sfence.sel $0x180000  }
0x83: {  	[bflag:$0x0] =	sbarrier.arrive $0xFFFF  }
0x84: {  	p0 =	sne.s32 s1, $0x0;
	_ =	strace $0x9000004A  }
0x85: {  	s0 =	sadd.s32 @!p0 $0x100000, s0;
	[bflag:$0x2] =	sbarrier.arrive $0xFFFF  }
0x86: {  	[sflag:s0] =	ssyncadd.tile.s32 @!p0 $0x1;
	_ =	shalt  }
.Lfunc_end2:
_tile_overlayer_lowered:
.L_overlay_start_2:
0x87: {  	(tag) =	ssettag $0x2  }
0x88: {  	s0 =	rddreg [dreg:$0x0];
	s2 =	stileid.u32  }
0x89: {  	s1 =	rddreg [dreg:$0x1];
	p0 =	sne.s32 s2, $0x0  }
0x8a: {  	s3 =	rddreg [dreg:$0x2];
	[bflag:$0x3] =	sbarrier.arrive $0xFFFF;
	s2 =	simm.s32 @!p0 $0x1C02  }
0x8b: {  	[timem:s3], [sflag:s2] =	dma.local @!p0 [hbm:s0], s1  }
0x8c: {  	s0 =	simm.s32 @!p0 $0x2  }
0x8d: {  	_ =	swait.ge @!p0 [sflag:s0], s1  }
0x8e: {  	s1 =	ssub.s32 @!p0 $0x0, s1;
	[sflag:s0] =	ssyncset.done @!p0 $0x0  }
0x8f: {  	[sflag:s0] =	ssyncadd.s32 @!p0 s1  }
0x90: {  	[bflag:$0x3] =	sbarrier.arrive $0xFFFF  }
0x91: {  	_ =	shalt  }

// kernel: kernel.16.cloned.1.call-start
scs
__scs_entry_jumppad:
0x0: {  	(pc) =	sbr.rel $0x88, $3  }
0x1: {  	(tag) =	ssettag $0x0;
	lr =	simm.s32 $0x1  }
0x2: {  	[smem:$0x3F99] =	sst lr;
	_ =	strace $0xD0000000  }
0x3: {  	_ = 	snop  }
0x4: {  	_ = 	snop  }
0x5: {  	_ = 	snop  }
0x6: {  	_ = 	snop  }
0x7: {  	_ = 	snop  }
__scs_overlays_trampoline_lowered:
0x8: {  	[smem:$0x3FA8] =	sst s0  }
0x9: {  	[smem:$0x3FA9] =	sst s1  }
0xa: {  	[smem:$0x3FAA] =	sst s2  }
0xb: {  	[smem:$0x3FAB] =	sst s3  }
0xc: {  	[smem:$0x3FAC] =	sst s4  }
0xd: {  	[smem:$0x3FAD] =	sst s5  }
0xe: {  	[smem:$0x3FAE] =	sst s6  }
0xf: {  	[smem:$0x3FAF] =	sst s7  }
0x10: {  	[smem:$0x3FB0] =	sst s8  }
0x11: {  	[smem:$0x3FB1] =	sst s9;
	s0 =	simm.s32 @!p0 $0x0  }
0x12: {  	s1 =	sld [smem:$0x3F97];
	s0 =	simm.s32 @p0 $0x1  }
0x13: {  	[smem:$0x3FB2] =	sst s0;
	s0 =	simm.s32 @!p1 $0x0  }
0x14: {  	s2 =	sld [smem:$0x3F96];
	s0 =	simm.s32 @p1 $0x1  }
0x15: {  	[smem:$0x3FB3] =	sst s0;
	s0 =	simm.s32 @!p2 $0x0  }
0x16: {  	s3 =	sld [smem:$0x3FDB];
	s0 =	simm.s32 @p2 $0x1  }
0x17: {  	s4 =	simm.s32 $0x1BF5;
	[smem:$0x3FB5] =	sst s0  }
0x18: {  	s0 =	sld [smem:$0x3F98];
	_ =	swait.ge [sflag:s4], $0x0  }
0x19: {  	s7 =	sld [smem:$0x3F99]  }
0x1a: {  	s8 =	sadd.s32 $0xFFFFE003, lr  }
0x1b: {  	s9 =	sadd.s32 $0xFFFFFEF7, lr;
	s5 =	simm.s32 $0xFFFFFFFF;
	p2 =	slt.u32 s8, $0xFFFFF086  }
0x1c: {  	p1 =	slt.u32 s9, $0xF7A;
	s5 =	simm.s32 @!p2 $0x0  }
0x1d: {  	s5 =	simm.s32 @p1 $0x1;
	p0 =	seq.s32 s7, s2  }
0x1e: {  	s7 =	smul.u32 @!p0 $0xF7A, s2;
	p2 =	seq.s32 @!p0 s5, $0x0  }
0x1f: {  	s9 =	smul.u32 $0xF7A, s1;
	s8 =	simm.s32 @!p0 $0x1BF5;
	p2 =	por !p2, p0  }
0x20: {  	[sflag:s8] =	ssyncset.s32 @!p0 $0xFFFFF086;
	s6 =	sadd.s32 @!p0 s3, s7;
	s7 =	simm.s32 @!p0 $0x108  }
0x21: {  	s3 =	sadd.s32 s3, s9;
	s6 =	sadd.s32 @!p0 $0x88, s6;
	s7 =	simm.s32 @p2 $0x1082  }
0x22: {  	[simem:s7], [sflag:s8] =	dma.local @!p0 [hbm:s6], $0xF7A  }
0x23: {  	s9 =	sor.u32 $0xD0000000, s2;
	s6 =	simm.s32 $0x108;
	_ =	swait.ge @!p0 [sflag:s8], $0x0  }
0x24: {  	s3 =	sadd.s32 $0x88, s3;
	s6 =	simm.s32 @!p1 $0x1082;
	[sflag:s4] =	ssyncset.s32 $0xFFFFF086  }
0x25: {  	[simem:s6], [sflag:s4] =	dma.local [hbm:s3], $0xF7A  }
0x26: {  	[smem:$0x3F99] =	sst s1;
	(tag) =	ssettag s2;
	_ =	strace s9  }
0x27: {  	s1 =	sld [smem:$0x3FA9]  }
0x28: {  	s2 =	sld [smem:$0x3FAA]  }
0x29: {  	s4 =	sld [smem:$0x3FAC]  }
0x2a: {  	p0 =	seq.s32 s5, $0x0;
	s5 =	sld [smem:$0x3FAD]  }
0x2b: {  	s6 =	sld [smem:$0x3FAE]  }
0x2c: {  	s7 =	sld [smem:$0x3FAF]  }
0x2d: {  	s3 =	simm.s32 $0x108;
	s8 =	sld [smem:$0x3FB0]  }
0x2e: {  	s3 =	simm.s32 @!p0 $0x1082;
	s9 =	sld [smem:$0x3FB1]  }
0x2f: {  	lr =	sadd.s32 s0, s3;
	s0 =	sld [smem:$0x3FA8]  }
0x30: {  	s3 =	sld [smem:$0x3FAB]  }
0x31: {  	[smem:$0x3FB4] =	sst s10  }
0x32: {  	s10 =	sld [smem:$0x3FB2];
	_ =	sdelay $0x3  }
0x33: {  	p0 =	seq.s32 s10, $0x1;
	s10 =	sld [smem:$0x3FB4];
	_ =	sdelay $0x3  }
0x34: {  	[smem:$0x3FB4] =	sst s10  }
0x35: {  	s10 =	sld [smem:$0x3FB3];
	_ =	sdelay $0x3  }
0x36: {  	p1 =	seq.s32 s10, $0x1;
	s10 =	sld [smem:$0x3FB4];
	_ =	sdelay $0x3  }
0x37: {  	[smem:$0x3FB4] =	sst s10  }
0x38: {  	s10 =	sld [smem:$0x3FB5]  }
0x39: {  	_ = 	snop;
	(pc) =	sbr.ind lr, $3  }
0x3a: {  	_ = 	snop  }
0x3b: {  	_ = 	snop  }
0x3c: {  	p2 =	seq.s32 s10, $0x1;
	s10 =	sld [smem:$0x3FB4]  }
0x3d: {  	_ =	shalt  }
0x3e: {  	_ =	shalt  }
0x3f: {  	_ =	shalt  }
0x40: {  	_ =	shalt  }
0x41: {  	_ =	shalt  }
0x42: {  	_ =	shalt  }
0x43: {  	_ =	shalt  }
0x44: {  	_ =	shalt  }
0x45: {  	_ =	shalt  }
0x46: {  	_ =	shalt  }
0x47: {  	_ =	shalt  }
0x48: {  	_ =	shalt  }
0x49: {  	_ =	shalt  }
0x4a: {  	_ =	shalt  }
0x4b: {  	_ =	shalt  }
0x4c: {  	_ =	shalt  }
0x4d: {  	_ =	shalt  }
0x4e: {  	_ =	shalt  }
0x4f: {  	_ =	shalt  }
0x50: {  	_ =	shalt  }
0x51: {  	_ =	shalt  }
0x52: {  	_ =	shalt  }
0x53: {  	_ =	shalt  }
0x54: {  	_ =	shalt  }
0x55: {  	_ =	shalt  }
0x56: {  	_ =	shalt  }
0x57: {  	_ =	shalt  }
0x58: {  	_ =	shalt  }
0x59: {  	_ =	shalt  }
0x5a: {  	_ =	shalt  }
0x5b: {  	_ =	shalt  }
0x5c: {  	_ =	shalt  }
0x5d: {  	_ =	shalt  }
0x5e: {  	_ =	shalt  }
0x5f: {  	_ =	shalt  }
0x60: {  	_ =	shalt  }
0x61: {  	_ =	shalt  }
0x62: {  	_ =	shalt  }
0x63: {  	_ =	shalt  }
0x64: {  	_ =	shalt  }
0x65: {  	_ =	shalt  }
0x66: {  	_ =	shalt  }
0x67: {  	_ =	shalt  }
0x68: {  	_ =	shalt  }
0x69: {  	_ =	shalt  }
0x6a: {  	_ =	shalt  }
0x6b: {  	_ =	shalt  }
0x6c: {  	_ =	shalt  }
0x6d: {  	_ =	shalt  }
0x6e: {  	_ =	shalt  }
0x6f: {  	_ =	shalt  }
0x70: {  	_ =	shalt  }
0x71: {  	_ =	shalt  }
0x72: {  	_ =	shalt  }
0x73: {  	_ =	shalt  }
0x74: {  	_ =	shalt  }
0x75: {  	_ =	shalt  }
0x76: {  	_ =	shalt  }
0x77: {  	_ =	shalt  }
0x78: {  	_ =	shalt  }
0x79: {  	_ =	shalt  }
0x7a: {  	_ =	shalt  }
0x7b: {  	_ =	shalt  }
0x7c: {  	_ =	shalt  }
0x7d: {  	_ =	shalt  }
0x7e: {  	_ =	shalt  }
0x7f: {  	_ =	shalt  }
0x80: {  	_ =	shalt  }
0x81: {  	_ =	shalt  }
0x82: {  	_ =	shalt  }
0x83: {  	_ =	shalt  }
0x84: {  	_ =	shalt  }
0x85: {  	_ =	shalt  }
0x86: {  	_ =	shalt  }
0x87: {  	_ =	shalt  }
.Lfunc_end0:
.L_simem_size_0:
called_computation.2_lowered:
.L_overlay_start_0:
0x88: {  	s2 =	sld [smem:$0x3FD9]  }
0x89: {  	s3 =	sld [smem:$0x3FFE];
	_ =	sdelay $0x1  }
0x8a: {  	s1 =	srdreg.scid  }
0x8b: {  	s0 =	sand.u32 $0x1, s1  }
0x8c: {  	s17 =	sshll.u32 s0, $0xA;
	s2 =	sadd.s32 s3, s2  }
0x8d: {  	s2 =	sadd.s32 s2, s17  }
0x8e: {  	[smem:$0x3FC0] =	sst s2  }
0x8f: {  	_ = 	snop  }
0x90: {  	s2 =	sld [smem:$0x3FD0];
	(tm) =	ssettm $0x1  }
0x91: {  	s18 =	sld [smem:$0x3FFB];
	_ =	sdelay $0x3  }
0x92: {  	_ =	strace s18  }
0x93: {  	s3 =	sld [smem:$0x3FFC];
	_ =	sdelay $0x3  }
0x94: {  	_ =	strace s3  }
0x95: {  	s3 =	sld [smem:$0x3FFD];
	_ =	sdelay $0x3  }
0x96: {  	_ =	strace s3  }
0x97: {  	_ =	strace $0x8FFFFFFF  }
0x98: {  	s19 =	sld [smem:$0x3FDB];
	_ =	sdelay $0x1  }
0x99: {  	s4 =	simm.s32 $_scs_section_size  }
0x9a: {  	s5 =	simm.s32 $_size__tile_overlayer_lowered;
	s6 =	simm.s32 $_tile_overlayer_lowered  }
0x9b: {  	s22 =	simm.s32 $0x1BFF;
	s21 =	sshll.u32 s6, $0x1;
	s3 =	sadd.s32 s4, s19  }
0x9c: {  	s7 =	simm.s32 $0x0;
	s20 =	sshll.u32 s5, $0x1;
	s5 =	sadd.s32 s21, s3  }
0x9d: {  	[timem:s7], [sflag:s22] =	dma.local [hbm:s5], s20  }
0x9e: {  	_ =	swait.ge [sflag:s22], s20  }
0x9f: {  	s4 =	ssub.s32 $0x0, s20;
	[sflag:s22] =	ssyncset.done $0x0  }
0xa0: {  	[sflag:s22] =	ssyncadd.s32 s4;
	_ =	sdelay $0x1  }
0xa1: {  	s23 =	simm.s32 $0x1B8B  }
0xa2: {  	_ =	swait.ge [sflag:s23], $0x1  }
0xa3: {  	[sflag:s23] =	ssyncset.done $0x0  }
0xa4: {  	s25 =	simm.s32 $0x1B8E;
	s24 =	sld [smem:$0x3FFE];
	[sflag:s23] =	ssyncadd.s32 $0xFFFFFFFF  }
0xa5: {  	s26 =	simm.s32 $execute0_lowered;
	[smem:$0x3FD2] =	sst s25  }
0xa6: {  	s5 =	sshll.u32 s26, $0x1;
	_ =	strace $0x8000004C;
	[dreg:$0x1] =	wrdreg $0xFFFFFFFF  }
0xa7: {  	s28 =	simm.s32 $_size_execute0_lowered;
	s3 =	sadd.s32 s3, s5;
	[dreg:$0x0] =	wrdreg $0x0  }
0xa8: {  	s5 =	sshll.u32 s28, $0x1;
	[dreg:$0x2] =	wrdreg s3  }
0xa9: {  	[dreg:$0x3] =	wrdreg s5  }
0xaa: {  	[dreg:$0x4] =	wrdreg $0xC0  }
0xab: {  	_ =	task [dreg:s7], $0x5FFFF  }
0xac: {  	[dreg:$0x1] =	wrdreg $0xFFFFFFFF  }
0xad: {  	[dreg:$0x0] =	wrdreg $0x60  }
0xae: {  	[dreg:$0x2] =	wrdreg s24  }
0xaf: {  	[dreg:$0x3] =	wrdreg s2  }
0xb0: {  	[dreg:$0x4] =	wrdreg $0x29000  }
0xb1: {  	[dreg:$0x5] =	wrdreg $0x9  }
0xb2: {  	_ =	task.clear_ibuf [dreg:s7], $0x6FFFF;
	_ =	strace $0x9000004C  }
0xb3: {  	s29 =	simm.s32 $0x9;
	_ =	strace $0x8000004E  }
0xb4: {  	_ =	swait.ge [sflag:s29], $0x1  }
0xb5: {  	[sflag:s29] =	ssyncadd.s32 $0xFFFFFFFF  }
0xb6: {  	_ =	strace $0x9000004E  }
0xb7: {  	_ =	sfence  }
0xb8: {  	s30 =	sld [smem:$0x0];
	_ =	sdelay $0x2  }
0xb9: {  	s31 =	sshll.u32 s1, $0xD;
	s1 =	sshrl.u32 s1, $0x2  }
0xba: {  	s3 =	sand.u32 $0x4000, s31;
	s1 =	sadd.s32 s1, s30  }
0xbb: {  	s0 =	sor.u32 s3, s0;
	s1 =	sshll.u32 s1, $0x11  }
0xbc: {  	s0 =	sor.u32 s1, s0  }
0xbd: {  	s0 =	sadd.s32 $0x8F2B, s0  }
0xbe: {  	[sflag:s0] =	ssyncadd.remote.s32 $0x1  }
0xbf: {  	_ =	sfence.sel $0xFFFF  }
0xc0: {  	[dreg:$0x0] =	wrdreg $0xFFFFFFFF;
	(pc) =	sbr.abs _section_cstart, $3  }
0xc1: {  	[dreg:$0x1] =	wrdreg $0xFFFFFFFF  }
0xc2: {  	_ =	task.clear_ibuf [dreg:s7], $0x2FFFF;
	_ =	strace $0x9FFFFFFF  }
0xc3: {  	(tm) =	ssettm $0x7FFFFFFF  }
tec
execute0_lowered:
.L_overlay_start_1:
0x0: {  	(tag) =	ssettag $0x1  }
0x1: {  	s8 =	rddreg [dreg:$0x0]  }
0x2: {  	s12 =	rddreg [dreg:$0x1]  }
0x3: {  	s2 =	rddreg [dreg:$0x2]  }
0x4: {  	s0 =	rddreg [dreg:$0x3];
	s3 =	simm.s32 $0x0  }
0x5: {  	s1 =	stileid.u32;
	s7 =	srdreg.scid;
	s17 =	simm.s32 $0x50  }
0x6: {  	s18 =	simm.s32 $0x100;
	s19 =	simm.s32 $0x1;
	s20 =	simm.s32 $0x0  }
0x7: {  	[smem:$0x7FF] =	sst s3;
	s13 =	smul.u32 $0x9C4, s1;
	s4 =	sadd.s32 $0x11400, s8  }
0x8: {  	s5 =	sadd.s32 $0x89400, s8;
	s6 =	sadd.s32 $0xEC00, s8;
	s10 =	sand.u32 $0x1, s7  }
0x9: {  	s9 =	smul.u32 $0x50000, s1;
	s7 =	sadd.s32 $0xB1400, s8;
	s16 =	sshll.u32 s1, $0x6  }
0xa: {  	s11 =	ssub.s32 $0x2, s10;
	p0 =	seq.s32 s10, $0x1;
	s10 =	smul.u32 $0x2800, s1  }
.Ltmp0:
0xb: {  	_ =	strace $0x8000004D;
	s14 =	sadd.s32 s13, s8;
	(pc) =	sbr.rel .LBB2_1-.Ltmp0, $4  }
0xc: {  	s8 =	sadd.s32 $0xD9400, s8;
	s15 =	sshrl.u32 s11, $0x1;
	s9 =	sshrl.u32 s9, $0x2  }
0xd: {  	s12 =	sadd.s32 s13, s12;
	s11 =	ssub.s32 s11, s15;
	s31 =	sadd.s32 s9, s2  }
0xe: {  	s9 =	sor.u32 $0x1C02, s16;
	s13 =	sadd.s32 $0x4E00, s14;
	s15 =	simm.s32 $0x2  }
0xf: {  	s16 =	simm.s32 $0x80;
	s11 =	smax.u32 s11, $0x1;
	s14 =	sshrl.u32 s31, $0x3  }
.LBB2_7:
0x10: {  	s22 =	sadd.s32 s21, s13;
	[sflag:s15] =	ssyncadd.s32 $0xFFFFD800  }
0x11: {  	[tilespmem:s3], [sflag:$0x2] =	stream.linear.gather [hbm4b:s22+s3], $0x50, $0x38;
	[tilespmem:$0x16900] =	vst v63  }
0x12: {  	_ =	swait.ge [sflag:s15], $0x50  }
0x13: {  	[sflag:s15] =	ssyncset.done $0x0  }
0x14: {  	s31 =	sadd.s32 s21, s12;
	[sflag:s15] =	ssyncadd.s32 $0xFFFFFFB0  }
0x15: {  	[tilespmem:s16], [sflag:$0x2] =	stream.linear.gather [hbm4b:s31+s3], $0x50, $0x38;
	[tilespmem:$0x16900] =	vst v63  }
0x16: {  	_ =	swait.ge [sflag:s15], $0x50  }
0x17: {  	[sflag:s15] =	ssyncset.done $0x0  }
0x18: {  	[sflag:s15] =	ssyncadd.s32 $0xFFFFFFB0  }
0x19: {  	[tilespmem:s18], [sflag:$0x1] =	stream.indirect.gather [hbm4b:s5+s17], $0x80, s3, s17, $0xb8;
	[tilespmem:$0x16900] =	vst v63  }
0x1a: {  	_ =	swait.ge [sflag:s19], $0x2800  }
0x1b: {  	[sflag:s19] =	ssyncset.done $0x0  }
0x1c: {  	[sflag:s19] =	ssyncadd.s32 $0xFFFFD800  }
0x1d: {  	[spmem:s2] =	stream.indirect.scatter.add.f32 [tilespmem:s18], [sflag:$0x2], $0x80, s16, s17, $0xb8;
	[tilespmem:$0x16900] =	vst v63  }
0x1e: {  	_ =	swait.ge [sflag:s15], $0x2800  }
0x1f: {  	[sflag:s15] =	ssyncset.done $0x0  }
0x20: {  	s21 =	smov.u32 s8;
	[sflag:s15] =	ssyncadd.s32 $0xFFFFD800  }
.LBB2_8:
0x21: {  	s20 =	sadd.s32 $0x1, s20  }
0x22: {  	p1 =	sne.s32 s20, s11  }
.Ltmp1:
0x23: {  	s21 =	sadd.s32 s21, s10;
	[bflag:$0x0] =	sbarrier.arrive $0xFFFF;
	(pc) =	sbr.rel @!p1 .LBB2_9-.Ltmp1, $4  }
0x24: {  	[hbm:s21], [sflag:s9] =	dma.local [spmem:s14], $0x2800  }
0x25: {  	_ =	swait.ge [sflag:s15], $0x2800  }
0x26: {  	[sflag:s15] =	ssyncset.done $0x0  }
0x27: {  	[sflag:s15] =	ssyncadd.s32 $0xFFFFD800  }
.LBB2_1:
0x28: {  	[spmem:s14], [sflag:s9] =	dma.local [hbm:s6], $0x2800  }
.Ltmp2:
0x29: {  	_ =	swait.ge [sflag:s15], $0x2800;
	(pc) =	sbr.rel @!p0 .LBB2_2-.Ltmp2, $4  }
0x2a: {  	[sflag:s15] =	ssyncset.done $0x0  }
0x2b: {  	[sflag:s15] =	ssyncadd.s32 $0xFFFFD800  }
0x2c: {  	[bflag:$0x0] =	sbarrier.arrive $0xFFFF  }
0x2d: {  	s21 =	sadd.s32 $0x0, s13  }
0x2e: {  	[tilespmem:s3], [sflag:$0x2] =	stream.linear.gather [hbm4b:s21+s3], $0x50, $0x38;
	[tilespmem:$0x16900] =	vst v63  }
0x2f: {  	_ =	swait.ge [sflag:s15], $0x50  }
0x30: {  	[sflag:s15] =	ssyncset.done $0x0  }
0x31: {  	s31 =	sadd.s32 $0x0, s12;
	[sflag:s15] =	ssyncadd.s32 $0xFFFFFFB0  }
0x32: {  	[tilespmem:s16], [sflag:$0x2] =	stream.linear.gather [hbm4b:s31+s3], $0x50, $0x38;
	[tilespmem:$0x16900] =	vst v63  }
0x33: {  	_ =	swait.ge [sflag:s15], $0x50  }
0x34: {  	[sflag:s15] =	ssyncset.done $0x0  }
0x35: {  	[sflag:s15] =	ssyncadd.s32 $0xFFFFFFB0  }
0x36: {  	[tilespmem:s18], [sflag:$0x1] =	stream.indirect.gather [hbm4b:s5+s17], $0x80, s3, s17, $0xb8;
	[tilespmem:$0x16900] =	vst v63  }
0x37: {  	_ =	swait.ge [sflag:s19], $0x2800  }
0x38: {  	[sflag:s19] =	ssyncset.done $0x0  }
0x39: {  	[sflag:s19] =	ssyncadd.s32 $0xFFFFD800  }
0x3a: {  	[spmem:s2] =	stream.indirect.scatter.add.f32 [tilespmem:s18], [sflag:$0x2], $0x80, s16, s17, $0xb8;
	[tilespmem:$0x16900] =	vst v63  }
0x3b: {  	_ =	swait.ge [sflag:s15], $0x2800  }
0x3c: {  	s21 =	simm.s32 $0xA;
	s22 =	simm.s32 $0x14;
	[sflag:s15] =	ssyncset.done $0x0  }
.LBB2_6:
0x3d: {  	s23 =	sadd.s32 s21, s13  }
0x3e: {  	[sflag:s15] =	ssyncadd.s32 $0xFFFFD800;
	s24 =	smov.u32 s22;
	s25 =	sadd.s32 $0xA, s22  }
0x3f: {  	[tilespmem:s3], [sflag:$0x2] =	stream.linear.gather [hbm4b:s23+s3], $0x50, $0x38;
	[tilespmem:$0x16900] =	vst v63  }
0x40: {  	p1 =	sne.s32 s22, $0x9BA;
	_ =	swait.ge [sflag:s15], $0x50  }
0x41: {  	[sflag:s15] =	ssyncset.done $0x0  }
0x42: {  	s22 =	sadd.s32 s21, s12;
	s21 =	smov.u32 s24;
	[sflag:s15] =	ssyncadd.s32 $0xFFFFFFB0  }
0x43: {  	[tilespmem:s16], [sflag:$0x2] =	stream.linear.gather [hbm4b:s22+s3], $0x50, $0x38;
	[tilespmem:$0x16900] =	vst v63  }
0x44: {  	_ =	swait.ge [sflag:s15], $0x50  }
0x45: {  	[sflag:s15] =	ssyncset.done $0x0  }
0x46: {  	[sflag:s15] =	ssyncadd.s32 $0xFFFFFFB0  }
0x47: {  	[tilespmem:s18], [sflag:$0x1] =	stream.indirect.gather [hbm4b:s5+s17], $0x80, s3, s17, $0xb8;
	[tilespmem:$0x16900] =	vst v63  }
0x48: {  	_ =	swait.ge [sflag:s19], $0x2800  }
.Ltmp3:
0x49: {  	[sflag:s19] =	ssyncset.done $0x0;
	(pc) =	sbr.rel @p1 .LBB2_6-.Ltmp3, $4  }
0x4a: {  	[sflag:s19] =	ssyncadd.s32 $0xFFFFD800  }
0x4b: {  	[spmem:s2] =	stream.indirect.scatter.add.f32 [tilespmem:s18], [sflag:$0x2], $0x80, s16, s17, $0xb8;
	[tilespmem:$0x16900] =	vst v63  }
0x4c: {  	_ =	swait.ge [sflag:s15], $0x2800  }
0x4d: {  	s22 =	smov.u32 s25;
	[sflag:s15] =	ssyncset.done $0x0  }
.Ltmp4:
0x4e: {  	_ = 	snop;
	(pc) =	sbr.rel .LBB2_7-.Ltmp4, $1  }
0x4f: {  	_ =	sdelay $0x3  }
.LBB2_2:
0x50: {  	[tilespmem:s3], [sflag:$0x2] =	stream.linear.gather [hbm4b:s21+s3], $0x50, $0x38;
	[tilespmem:$0x16900] =	vst v63  }
0x51: {  	_ =	swait.ge [sflag:s15], $0x50  }
0x52: {  	[sflag:s15] =	ssyncset.done $0x0  }
0x53: {  	s31 =	sadd.s32 $0x0, s12;
	[sflag:s15] =	ssyncadd.s32 $0xFFFFFFB0  }
0x54: {  	[tilespmem:s16], [sflag:$0x2] =	stream.linear.gather [hbm4b:s31+s3], $0x50, $0x38;
	[tilespmem:$0x16900] =	vst v63  }
0x55: {  	_ =	swait.ge [sflag:s15], $0x50  }
0x56: {  	[sflag:s15] =	ssyncset.done $0x0  }
0x57: {  	[sflag:s15] =	ssyncadd.s32 $0xFFFFFFB0  }
0x58: {  	[tilespmem:s18], [sflag:$0x1] =	stream.indirect.gather [hbm4b:s4+s17], $0x80, s3, s17, $0xb8;
	[tilespmem:$0x16900] =	vst v63  }
0x59: {  	_ =	swait.ge [sflag:s19], $0x2800  }
0x5a: {  	[sflag:s19] =	ssyncset.done $0x0  }
0x5b: {  	[sflag:s19] =	ssyncadd.s32 $0xFFFFD800  }
0x5c: {  	[spmem:s2] =	stream.indirect.scatter.add.f32 [tilespmem:s18], [sflag:$0x2], $0x80, s16, s17, $0xb8;
	[tilespmem:$0x16900] =	vst v63  }
0x5d: {  	_ =	swait.ge [sflag:s15], $0x2800  }
0x5e: {  	s21 =	simm.s32 $0xA;
	s22 =	simm.s32 $0x14;
	[sflag:s15] =	ssyncset.done $0x0  }
.LBB2_3:
0x5f: {  	s23 =	sadd.s32 s21, s13  }
0x60: {  	[sflag:s15] =	ssyncadd.s32 $0xFFFFD800;
	s24 =	smov.u32 s22;
	s25 =	sadd.s32 $0xA, s22  }
0x61: {  	[tilespmem:s3], [sflag:$0x2] =	stream.linear.gather [hbm4b:s23+s3], $0x50, $0x38;
	[tilespmem:$0x16900] =	vst v63  }
0x62: {  	p1 =	seq.s32 s22, $0x9BA;
	_ =	swait.ge [sflag:s15], $0x50  }
0x63: {  	[sflag:s15] =	ssyncset.done $0x0  }
0x64: {  	s22 =	sadd.s32 s21, s12;
	s21 =	smov.u32 s24;
	[sflag:s15] =	ssyncadd.s32 $0xFFFFFFB0  }
0x65: {  	[tilespmem:s16], [sflag:$0x2] =	stream.linear.gather [hbm4b:s22+s3], $0x50, $0x38;
	[tilespmem:$0x16900] =	vst v63  }
0x66: {  	_ =	swait.ge [sflag:s15], $0x50  }
0x67: {  	[sflag:s15] =	ssyncset.done $0x0  }
0x68: {  	[sflag:s15] =	ssyncadd.s32 $0xFFFFFFB0  }
0x69: {  	[tilespmem:s18], [sflag:$0x1] =	stream.indirect.gather [hbm4b:s4+s17], $0x80, s3, s17, $0xb8;
	[tilespmem:$0x16900] =	vst v63  }
0x6a: {  	_ =	swait.ge [sflag:s19], $0x2800  }
.Ltmp5:
0x6b: {  	[sflag:s19] =	ssyncset.done $0x0;
	(pc) =	sbr.rel @!p1 .LBB2_3-.Ltmp5, $4  }
0x6c: {  	[sflag:s19] =	ssyncadd.s32 $0xFFFFD800  }
0x6d: {  	[spmem:s2] =	stream.indirect.scatter.add.f32 [tilespmem:s18], [sflag:$0x2], $0x80, s16, s17, $0xb8;
	[tilespmem:$0x16900] =	vst v63  }
0x6e: {  	_ =	swait.ge [sflag:s15], $0x2800  }
0x6f: {  	s22 =	smov.u32 s25;
	[sflag:s15] =	ssyncset.done $0x0  }
0x70: {  	s22 =	sadd.s32 s21, s13;
	[sflag:s15] =	ssyncadd.s32 $0xFFFFD800  }
0x71: {  	[tilespmem:s3], [sflag:$0x2] =	stream.linear.gather [hbm4b:s22+s3], $0x50, $0x38;
	[tilespmem:$0x16900] =	vst v63  }
0x72: {  	_ =	swait.ge [sflag:s15], $0x50  }
0x73: {  	[sflag:s15] =	ssyncset.done $0x0  }
0x74: {  	s31 =	sadd.s32 s21, s12;
	[sflag:s15] =	ssyncadd.s32 $0xFFFFFFB0  }
0x75: {  	[tilespmem:s16], [sflag:$0x2] =	stream.linear.gather [hbm4b:s31+s3], $0x50, $0x38;
	[tilespmem:$0x16900] =	vst v63  }
0x76: {  	_ =	swait.ge [sflag:s15], $0x50  }
0x77: {  	[sflag:s15] =	ssyncset.done $0x0  }
0x78: {  	[sflag:s15] =	ssyncadd.s32 $0xFFFFFFB0  }
0x79: {  	[tilespmem:s18], [sflag:$0x1] =	stream.indirect.gather [hbm4b:s4+s17], $0x80, s3, s17, $0xb8;
	[tilespmem:$0x16900] =	vst v63  }
0x7a: {  	_ =	swait.ge [sflag:s19], $0x2800  }
0x7b: {  	[sflag:s19] =	ssyncset.done $0x0  }
.Ltmp6:
0x7c: {  	[sflag:s19] =	ssyncadd.s32 $0xFFFFD800;
	(pc) =	sbr.rel .LBB2_8-.Ltmp6, $4  }
0x7d: {  	[spmem:s2] =	stream.indirect.scatter.add.f32 [tilespmem:s18], [sflag:$0x2], $0x80, s16, s17, $0xb8;
	[tilespmem:$0x16900] =	vst v63  }
0x7e: {  	_ =	swait.ge [sflag:s15], $0x2800  }
0x7f: {  	[sflag:s15] =	ssyncset.done $0x0  }
0x80: {  	s21 =	smov.u32 s7;
	[sflag:s15] =	ssyncadd.s32 $0xFFFFD800  }
.LBB2_9:
0x81: {  	_ =	sfence.sel $0x180000  }
0x82: {  	[bflag:$0x0] =	sbarrier.arrive $0xFFFF  }
0x83: {  	p0 =	sne.s32 s1, $0x0;
	_ =	strace $0x9000004D  }
0x84: {  	s0 =	sadd.s32 @!p0 $0x100000, s0;
	[bflag:$0x2] =	sbarrier.arrive $0xFFFF  }
0x85: {  	[sflag:s0] =	ssyncadd.tile.s32 @!p0 $0x1;
	_ =	shalt  }
.Lfunc_end2:
_tile_overlayer_lowered:
.L_overlay_start_2:
0x86: {  	(tag) =	ssettag $0x2  }
0x87: {  	s0 =	rddreg [dreg:$0x0];
	s2 =	stileid.u32  }
0x88: {  	s1 =	rddreg [dreg:$0x1];
	p0 =	sne.s32 s2, $0x0  }
0x89: {  	s3 =	rddreg [dreg:$0x2];
	[bflag:$0x3] =	sbarrier.arrive $0xFFFF;
	s2 =	simm.s32 @!p0 $0x1C02  }
0x8a: {  	[timem:s3], [sflag:s2] =	dma.local @!p0 [hbm:s0], s1  }
0x8b: {  	s0 =	simm.s32 @!p0 $0x2  }
0x8c: {  	_ =	swait.ge @!p0 [sflag:s0], s1  }
0x8d: {  	s1 =	ssub.s32 @!p0 $0x0, s1;
	[sflag:s0] =	ssyncset.done @!p0 $0x0  }
0x8e: {  	[sflag:s0] =	ssyncadd.s32 @!p0 s1  }
0x8f: {  	[bflag:$0x3] =	sbarrier.arrive $0xFFFF  }
0x90: {  	_ =	shalt  }

// kernel: kernel.19.cloned.1.call-start
scs
__scs_entry_jumppad:
0x0: {  	(pc) =	sbr.rel $0x88, $3  }
0x1: {  	(tag) =	ssettag $0x0;
	lr =	simm.s32 $0x1  }
0x2: {  	[smem:$0x3F99] =	sst lr;
	_ =	strace $0xD0000000  }
0x3: {  	_ = 	snop  }
0x4: {  	_ = 	snop  }
0x5: {  	_ = 	snop  }
0x6: {  	_ = 	snop  }
0x7: {  	_ = 	snop  }
__scs_overlays_trampoline_lowered:
0x8: {  	[smem:$0x3FA8] =	sst s0  }
0x9: {  	[smem:$0x3FA9] =	sst s1  }
0xa: {  	[smem:$0x3FAA] =	sst s2  }
0xb: {  	[smem:$0x3FAB] =	sst s3  }
0xc: {  	[smem:$0x3FAC] =	sst s4  }
0xd: {  	[smem:$0x3FAD] =	sst s5  }
0xe: {  	[smem:$0x3FAE] =	sst s6  }
0xf: {  	[smem:$0x3FAF] =	sst s7  }
0x10: {  	[smem:$0x3FB0] =	sst s8  }
0x11: {  	[smem:$0x3FB1] =	sst s9;
	s0 =	simm.s32 @!p0 $0x0  }
0x12: {  	s1 =	sld [smem:$0x3F97];
	s0 =	simm.s32 @p0 $0x1  }
0x13: {  	[smem:$0x3FB2] =	sst s0;
	s0 =	simm.s32 @!p1 $0x0  }
0x14: {  	s2 =	sld [smem:$0x3F96];
	s0 =	simm.s32 @p1 $0x1  }
0x15: {  	[smem:$0x3FB3] =	sst s0;
	s0 =	simm.s32 @!p2 $0x0  }
0x16: {  	s3 =	sld [smem:$0x3FDB];
	s0 =	simm.s32 @p2 $0x1  }
0x17: {  	s4 =	simm.s32 $0x1BF5;
	[smem:$0x3FB5] =	sst s0  }
0x18: {  	s0 =	sld [smem:$0x3F98];
	_ =	swait.ge [sflag:s4], $0x0  }
0x19: {  	s7 =	sld [smem:$0x3F99]  }
0x1a: {  	s8 =	sadd.s32 $0xFFFFE003, lr  }
0x1b: {  	s9 =	sadd.s32 $0xFFFFFEF7, lr;
	s5 =	simm.s32 $0xFFFFFFFF;
	p2 =	slt.u32 s8, $0xFFFFF086  }
0x1c: {  	p1 =	slt.u32 s9, $0xF7A;
	s5 =	simm.s32 @!p2 $0x0  }
0x1d: {  	s5 =	simm.s32 @p1 $0x1;
	p0 =	seq.s32 s7, s2  }
0x1e: {  	s7 =	smul.u32 @!p0 $0xF7A, s2;
	p2 =	seq.s32 @!p0 s5, $0x0  }
0x1f: {  	s9 =	smul.u32 $0xF7A, s1;
	s8 =	simm.s32 @!p0 $0x1BF5;
	p2 =	por !p2, p0  }
0x20: {  	[sflag:s8] =	ssyncset.s32 @!p0 $0xFFFFF086;
	s6 =	sadd.s32 @!p0 s3, s7;
	s7 =	simm.s32 @!p0 $0x108  }
0x21: {  	s3 =	sadd.s32 s3, s9;
	s6 =	sadd.s32 @!p0 $0x88, s6;
	s7 =	simm.s32 @p2 $0x1082  }
0x22: {  	[simem:s7], [sflag:s8] =	dma.local @!p0 [hbm:s6], $0xF7A  }
0x23: {  	s9 =	sor.u32 $0xD0000000, s2;
	s6 =	simm.s32 $0x108;
	_ =	swait.ge @!p0 [sflag:s8], $0x0  }
0x24: {  	s3 =	sadd.s32 $0x88, s3;
	s6 =	simm.s32 @!p1 $0x1082;
	[sflag:s4] =	ssyncset.s32 $0xFFFFF086  }
0x25: {  	[simem:s6], [sflag:s4] =	dma.local [hbm:s3], $0xF7A  }
0x26: {  	[smem:$0x3F99] =	sst s1;
	(tag) =	ssettag s2;
	_ =	strace s9  }
0x27: {  	s1 =	sld [smem:$0x3FA9]  }
0x28: {  	s2 =	sld [smem:$0x3FAA]  }
0x29: {  	s4 =	sld [smem:$0x3FAC]  }
0x2a: {  	p0 =	seq.s32 s5, $0x0;
	s5 =	sld [smem:$0x3FAD]  }
0x2b: {  	s6 =	sld [smem:$0x3FAE]  }
0x2c: {  	s7 =	sld [smem:$0x3FAF]  }
0x2d: {  	s3 =	simm.s32 $0x108;
	s8 =	sld [smem:$0x3FB0]  }
0x2e: {  	s3 =	simm.s32 @!p0 $0x1082;
	s9 =	sld [smem:$0x3FB1]  }
0x2f: {  	lr =	sadd.s32 s0, s3;
	s0 =	sld [smem:$0x3FA8]  }
0x30: {  	s3 =	sld [smem:$0x3FAB]  }
0x31: {  	[smem:$0x3FB4] =	sst s10  }
0x32: {  	s10 =	sld [smem:$0x3FB2];
	_ =	sdelay $0x3  }
0x33: {  	p0 =	seq.s32 s10, $0x1;
	s10 =	sld [smem:$0x3FB4];
	_ =	sdelay $0x3  }
0x34: {  	[smem:$0x3FB4] =	sst s10  }
0x35: {  	s10 =	sld [smem:$0x3FB3];
	_ =	sdelay $0x3  }
0x36: {  	p1 =	seq.s32 s10, $0x1;
	s10 =	sld [smem:$0x3FB4];
	_ =	sdelay $0x3  }
0x37: {  	[smem:$0x3FB4] =	sst s10  }
0x38: {  	s10 =	sld [smem:$0x3FB5]  }
0x39: {  	_ = 	snop;
	(pc) =	sbr.ind lr, $3  }
0x3a: {  	_ = 	snop  }
0x3b: {  	_ = 	snop  }
0x3c: {  	p2 =	seq.s32 s10, $0x1;
	s10 =	sld [smem:$0x3FB4]  }
0x3d: {  	_ =	shalt  }
0x3e: {  	_ =	shalt  }
0x3f: {  	_ =	shalt  }
0x40: {  	_ =	shalt  }
0x41: {  	_ =	shalt  }
0x42: {  	_ =	shalt  }
0x43: {  	_ =	shalt  }
0x44: {  	_ =	shalt  }
0x45: {  	_ =	shalt  }
0x46: {  	_ =	shalt  }
0x47: {  	_ =	shalt  }
0x48: {  	_ =	shalt  }
0x49: {  	_ =	shalt  }
0x4a: {  	_ =	shalt  }
0x4b: {  	_ =	shalt  }
0x4c: {  	_ =	shalt  }
0x4d: {  	_ =	shalt  }
0x4e: {  	_ =	shalt  }
0x4f: {  	_ =	shalt  }
0x50: {  	_ =	shalt  }
0x51: {  	_ =	shalt  }
0x52: {  	_ =	shalt  }
0x53: {  	_ =	shalt  }
0x54: {  	_ =	shalt  }
0x55: {  	_ =	shalt  }
0x56: {  	_ =	shalt  }
0x57: {  	_ =	shalt  }
0x58: {  	_ =	shalt  }
0x59: {  	_ =	shalt  }
0x5a: {  	_ =	shalt  }
0x5b: {  	_ =	shalt  }
0x5c: {  	_ =	shalt  }
0x5d: {  	_ =	shalt  }
0x5e: {  	_ =	shalt  }
0x5f: {  	_ =	shalt  }
0x60: {  	_ =	shalt  }
0x61: {  	_ =	shalt  }
0x62: {  	_ =	shalt  }
0x63: {  	_ =	shalt  }
0x64: {  	_ =	shalt  }
0x65: {  	_ =	shalt  }
0x66: {  	_ =	shalt  }
0x67: {  	_ =	shalt  }
0x68: {  	_ =	shalt  }
0x69: {  	_ =	shalt  }
0x6a: {  	_ =	shalt  }
0x6b: {  	_ =	shalt  }
0x6c: {  	_ =	shalt  }
0x6d: {  	_ =	shalt  }
0x6e: {  	_ =	shalt  }
0x6f: {  	_ =	shalt  }
0x70: {  	_ =	shalt  }
0x71: {  	_ =	shalt  }
0x72: {  	_ =	shalt  }
0x73: {  	_ =	shalt  }
0x74: {  	_ =	shalt  }
0x75: {  	_ =	shalt  }
0x76: {  	_ =	shalt  }
0x77: {  	_ =	shalt  }
0x78: {  	_ =	shalt  }
0x79: {  	_ =	shalt  }
0x7a: {  	_ =	shalt  }
0x7b: {  	_ =	shalt  }
0x7c: {  	_ =	shalt  }
0x7d: {  	_ =	shalt  }
0x7e: {  	_ =	shalt  }
0x7f: {  	_ =	shalt  }
0x80: {  	_ =	shalt  }
0x81: {  	_ =	shalt  }
0x82: {  	_ =	shalt  }
0x83: {  	_ =	shalt  }
0x84: {  	_ =	shalt  }
0x85: {  	_ =	shalt  }
0x86: {  	_ =	shalt  }
0x87: {  	_ =	shalt  }
.Lfunc_end0:
.L_simem_size_0:
called_computation.3_lowered:
.L_overlay_start_0:
0x88: {  	s2 =	sld [smem:$0x3FD9]  }
0x89: {  	s3 =	sld [smem:$0x3FFE];
	_ =	sdelay $0x1  }
0x8a: {  	s1 =	srdreg.scid  }
0x8b: {  	s0 =	sand.u32 $0x1, s1  }
0x8c: {  	s17 =	sshll.u32 s0, $0xA;
	s2 =	sadd.s32 s3, s2  }
0x8d: {  	s2 =	sadd.s32 s2, s17  }
0x8e: {  	[smem:$0x3FC0] =	sst s2  }
0x8f: {  	_ = 	snop  }
0x90: {  	s2 =	sld [smem:$0x3FD0];
	(tm) =	ssettm $0x1  }
0x91: {  	s18 =	sld [smem:$0x3FFB];
	_ =	sdelay $0x3  }
0x92: {  	_ =	strace s18  }
0x93: {  	s3 =	sld [smem:$0x3FFC];
	_ =	sdelay $0x3  }
0x94: {  	_ =	strace s3  }
0x95: {  	s3 =	sld [smem:$0x3FFD];
	_ =	sdelay $0x3  }
0x96: {  	_ =	strace s3  }
0x97: {  	_ =	strace $0x8FFFFFFF  }
0x98: {  	s19 =	sld [smem:$0x3FDB];
	_ =	sdelay $0x1  }
0x99: {  	s4 =	simm.s32 $_scs_section_size  }
0x9a: {  	s5 =	simm.s32 $_size__tile_overlayer_lowered;
	s6 =	simm.s32 $_tile_overlayer_lowered  }
0x9b: {  	s22 =	simm.s32 $0x1BFF;
	s21 =	sshll.u32 s6, $0x1;
	s3 =	sadd.s32 s4, s19  }
0x9c: {  	s7 =	simm.s32 $0x0;
	s20 =	sshll.u32 s5, $0x1;
	s5 =	sadd.s32 s21, s3  }
0x9d: {  	[timem:s7], [sflag:s22] =	dma.local [hbm:s5], s20  }
0x9e: {  	_ =	swait.ge [sflag:s22], s20  }
0x9f: {  	s4 =	ssub.s32 $0x0, s20;
	[sflag:s22] =	ssyncset.done $0x0  }
0xa0: {  	[sflag:s22] =	ssyncadd.s32 s4;
	_ =	sdelay $0x1  }
0xa1: {  	s23 =	simm.s32 $0x1B8B  }
0xa2: {  	_ =	swait.ge [sflag:s23], $0x1  }
0xa3: {  	[sflag:s23] =	ssyncset.done $0x0  }
0xa4: {  	s25 =	simm.s32 $0x1B8E;
	s24 =	sld [smem:$0x3FFE];
	[sflag:s23] =	ssyncadd.s32 $0xFFFFFFFF  }
0xa5: {  	s26 =	simm.s32 $execute0_lowered;
	[smem:$0x3FD2] =	sst s25  }
0xa6: {  	s5 =	sshll.u32 s26, $0x1;
	_ =	strace $0x8000004F;
	[dreg:$0x1] =	wrdreg $0xFFFFFFFF  }
0xa7: {  	s28 =	simm.s32 $_size_execute0_lowered;
	s3 =	sadd.s32 s3, s5;
	[dreg:$0x0] =	wrdreg $0x0  }
0xa8: {  	s5 =	sshll.u32 s28, $0x1;
	[dreg:$0x2] =	wrdreg s3  }
0xa9: {  	[dreg:$0x3] =	wrdreg s5  }
0xaa: {  	[dreg:$0x4] =	wrdreg $0xC0  }
0xab: {  	_ =	task [dreg:s7], $0x5FFFF  }
0xac: {  	[dreg:$0x1] =	wrdreg $0xFFFFFFFF  }
0xad: {  	[dreg:$0x0] =	wrdreg $0x60  }
0xae: {  	[dreg:$0x2] =	wrdreg s24  }
0xaf: {  	[dreg:$0x3] =	wrdreg s2  }
0xb0: {  	[dreg:$0x4] =	wrdreg $0x29000  }
0xb1: {  	[dreg:$0x5] =	wrdreg $0x9  }
0xb2: {  	_ =	task.clear_ibuf [dreg:s7], $0x6FFFF;
	_ =	strace $0x9000004F  }
0xb3: {  	s29 =	simm.s32 $0x9;
	_ =	strace $0x80000051  }
0xb4: {  	_ =	swait.ge [sflag:s29], $0x1  }
0xb5: {  	[sflag:s29] =	ssyncadd.s32 $0xFFFFFFFF  }
0xb6: {  	_ =	strace $0x90000051  }
0xb7: {  	_ =	sfence  }
0xb8: {  	s30 =	sld [smem:$0x0];
	_ =	sdelay $0x2  }
0xb9: {  	s31 =	sshll.u32 s1, $0xD;
	s1 =	sshrl.u32 s1, $0x2  }
0xba: {  	s3 =	sand.u32 $0x4000, s31;
	s1 =	sadd.s32 s1, s30  }
0xbb: {  	s0 =	sor.u32 s3, s0;
	s1 =	sshll.u32 s1, $0x11  }
0xbc: {  	s0 =	sor.u32 s1, s0  }
0xbd: {  	s0 =	sadd.s32 $0x8F2B, s0  }
0xbe: {  	[sflag:s0] =	ssyncadd.remote.s32 $0x1  }
0xbf: {  	_ =	sfence.sel $0xFFFF  }
0xc0: {  	[dreg:$0x0] =	wrdreg $0xFFFFFFFF;
	(pc) =	sbr.abs _section_cstart, $3  }
0xc1: {  	[dreg:$0x1] =	wrdreg $0xFFFFFFFF  }
0xc2: {  	_ =	task.clear_ibuf [dreg:s7], $0x2FFFF;
	_ =	strace $0x9FFFFFFF  }
0xc3: {  	(tm) =	ssettm $0x7FFFFFFF  }
tec
execute0_lowered:
.L_overlay_start_1:
0x0: {  	(tag) =	ssettag $0x1  }
0x1: {  	s7 =	rddreg [dreg:$0x0]  }
0x2: {  	s11 =	rddreg [dreg:$0x1]  }
0x3: {  	s2 =	rddreg [dreg:$0x2]  }
0x4: {  	s0 =	rddreg [dreg:$0x3];
	s3 =	simm.s32 $0x0;
	s1 =	stileid.u32  }
0x5: {  	s5 =	srdreg.scid;
	s16 =	simm.s32 $0x2;
	s17 =	simm.s32 $0x80  }
0x6: {  	s18 =	simm.s32 $0x50;
	s19 =	simm.s32 $0x100;
	s20 =	simm.s32 $0x1  }
0x7: {  	s21 =	simm.s32 $0x0;
	[smem:$0x7FF] =	sst s3;
	s12 =	smul.u32 $0x4E2, s1  }
0x8: {  	s4 =	sadd.s32 $0x11400, s7;
	s9 =	sand.u32 $0x1, s5;
	s8 =	smul.u32 $0x50000, s1  }
0x9: {  	s5 =	sadd.s32 $0xEC00, s7;
	s6 =	sadd.s32 $0x39400, s7;
	s31 =	sshll.u32 s1, $0x6  }
0xa: {  	s10 =	ssub.s32 $0x2, s9;
	p0 =	seq.s32 s9, $0x1;
	s9 =	smul.u32 $0x2800, s1  }
.Ltmp0:
0xb: {  	_ =	strace $0x80000050;
	s14 =	sadd.s32 s12, s7;
	(pc) =	sbr.rel .LBB2_1-.Ltmp0, $4  }
0xc: {  	s7 =	sadd.s32 $0x61400, s7;
	s13 =	sshrl.u32 s10, $0x1;
	s8 =	sshrl.u32 s8, $0x2  }
0xd: {  	s11 =	sadd.s32 s12, s11;
	s10 =	ssub.s32 s10, s13;
	s15 =	sadd.s32 s8, s2  }
0xe: {  	s8 =	sor.u32 $0x1C02, s31;
	s12 =	sadd.s32 $0x4E00, s14;
	s13 =	sadd.s32 $0x4E20, s11  }
0xf: {  	s14 =	sadd.s32 $0x9C20, s14;
	s10 =	smax.u32 s10, $0x1;
	s15 =	sshrl.u32 s15, $0x3  }
.LBB2_7:
0x10: {  	s23 =	sadd.s32 s22, s14;
	[sflag:s16] =	ssyncadd.s32 $0xFFFFD800  }
0x11: {  	[tilespmem:s3], [sflag:$0x2] =	stream.linear.gather [hbm4b:s23+s3], $0x50, $0x38;
	[tilespmem:$0x16900] =	vst v63  }
0x12: {  	_ =	swait.ge [sflag:s16], $0x50  }
0x13: {  	[sflag:s16] =	ssyncset.done $0x0  }
0x14: {  	s31 =	sadd.s32 s22, s13;
	[sflag:s16] =	ssyncadd.s32 $0xFFFFFFB0  }
0x15: {  	[tilespmem:s17], [sflag:$0x2] =	stream.linear.gather [hbm4b:s31+s3], $0x50, $0x38;
	[tilespmem:$0x16900] =	vst v63  }
0x16: {  	_ =	swait.ge [sflag:s16], $0x50  }
0x17: {  	[sflag:s16] =	ssyncset.done $0x0  }
0x18: {  	[sflag:s16] =	ssyncadd.s32 $0xFFFFFFB0  }
0x19: {  	[tilespmem:s19], [sflag:$0x1] =	stream.indirect.gather [hbm4b:s4+s18], $0x80, s3, s18, $0xb8;
	[tilespmem:$0x16900] =	vst v63  }
0x1a: {  	_ =	swait.ge [sflag:s20], $0x2800  }
0x1b: {  	[sflag:s20] =	ssyncset.done $0x0  }
0x1c: {  	[sflag:s20] =	ssyncadd.s32 $0xFFFFD800  }
0x1d: {  	[spmem:s2] =	stream.indirect.scatter.add.f32 [tilespmem:s19], [sflag:$0x2], $0x80, s17, s18, $0xb8;
	[tilespmem:$0x16900] =	vst v63  }
0x1e: {  	_ =	swait.ge [sflag:s16], $0x2800  }
0x1f: {  	[sflag:s16] =	ssyncset.done $0x0  }
0x20: {  	s22 =	smov.u32 s7;
	[sflag:s16] =	ssyncadd.s32 $0xFFFFD800  }
.LBB2_8:
0x21: {  	s21 =	sadd.s32 $0x1, s21  }
0x22: {  	p1 =	sne.s32 s21, s10  }
.Ltmp1:
0x23: {  	s22 =	sadd.s32 s22, s9;
	[bflag:$0x0] =	sbarrier.arrive $0xFFFF;
	(pc) =	sbr.rel @!p1 .LBB2_9-.Ltmp1, $4  }
0x24: {  	[hbm:s22], [sflag:s8] =	dma.local [spmem:s15], $0x2800  }
0x25: {  	_ =	swait.ge [sflag:s16], $0x2800  }
0x26: {  	[sflag:s16] =	ssyncset.done $0x0  }
0x27: {  	[sflag:s16] =	ssyncadd.s32 $0xFFFFD800  }
.LBB2_1:
0x28: {  	[spmem:s15], [sflag:s8] =	dma.local [hbm:s5], $0x2800  }
.Ltmp2:
0x29: {  	_ =	swait.ge [sflag:s16], $0x2800;
	(pc) =	sbr.rel @!p0 .LBB2_2-.Ltmp2, $3  }
0x2a: {  	[sflag:s16] =	ssyncset.done $0x0  }
0x2b: {  	[sflag:s16] =	ssyncadd.s32 $0xFFFFD800  }
0x2c: {  	[bflag:$0x0] =	sbarrier.arrive $0xFFFF;
	_ =	sdelay $0x1  }
0x2d: {  	s22 =	sadd.s32 $0x0, s14  }
0x2e: {  	[tilespmem:s3], [sflag:$0x2] =	stream.linear.gather [hbm4b:s22+s3], $0x50, $0x38;
	[tilespmem:$0x16900] =	vst v63  }
0x2f: {  	_ =	swait.ge [sflag:s16], $0x50  }
0x30: {  	[sflag:s16] =	ssyncset.done $0x0  }
0x31: {  	s31 =	sadd.s32 $0x0, s13;
	[sflag:s16] =	ssyncadd.s32 $0xFFFFFFB0  }
0x32: {  	[tilespmem:s17], [sflag:$0x2] =	stream.linear.gather [hbm4b:s31+s3], $0x50, $0x38;
	[tilespmem:$0x16900] =	vst v63  }
0x33: {  	_ =	swait.ge [sflag:s16], $0x50  }
0x34: {  	[sflag:s16] =	ssyncset.done $0x0  }
0x35: {  	[sflag:s16] =	ssyncadd.s32 $0xFFFFFFB0  }
0x36: {  	[tilespmem:s19], [sflag:$0x1] =	stream.indirect.gather [hbm4b:s4+s18], $0x80, s3, s18, $0xb8;
	[tilespmem:$0x16900] =	vst v63  }
0x37: {  	_ =	swait.ge [sflag:s20], $0x2800  }
0x38: {  	[sflag:s20] =	ssyncset.done $0x0  }
0x39: {  	[sflag:s20] =	ssyncadd.s32 $0xFFFFD800  }
0x3a: {  	[spmem:s2] =	stream.indirect.scatter.add.f32 [tilespmem:s19], [sflag:$0x2], $0x80, s17, s18, $0xb8;
	[tilespmem:$0x16900] =	vst v63  }
0x3b: {  	_ =	swait.ge [sflag:s16], $0x2800  }
0x3c: {  	s23 =	simm.s32 $0x14;
	s22 =	simm.s32 $0xA;
	[sflag:s16] =	ssyncset.done $0x0  }
.LBB2_6:
0x3d: {  	s24 =	sadd.s32 s22, s14  }
0x3e: {  	[sflag:s16] =	ssyncadd.s32 $0xFFFFD800;
	s25 =	smov.u32 s23;
	s26 =	sadd.s32 $0xA, s23  }
0x3f: {  	[tilespmem:s3], [sflag:$0x2] =	stream.linear.gather [hbm4b:s24+s3], $0x50, $0x38;
	[tilespmem:$0x16900] =	vst v63  }
0x40: {  	p1 =	sne.s32 s23, $0x4D8;
	_ =	swait.ge [sflag:s16], $0x50  }
0x41: {  	[sflag:s16] =	ssyncset.done $0x0  }
0x42: {  	s23 =	sadd.s32 s22, s13;
	s22 =	smov.u32 s25;
	[sflag:s16] =	ssyncadd.s32 $0xFFFFFFB0  }
0x43: {  	[tilespmem:s17], [sflag:$0x2] =	stream.linear.gather [hbm4b:s23+s3], $0x50, $0x38;
	[tilespmem:$0x16900] =	vst v63  }
0x44: {  	_ =	swait.ge [sflag:s16], $0x50  }
0x45: {  	[sflag:s16] =	ssyncset.done $0x0  }
0x46: {  	[sflag:s16] =	ssyncadd.s32 $0xFFFFFFB0  }
0x47: {  	[tilespmem:s19], [sflag:$0x1] =	stream.indirect.gather [hbm4b:s4+s18], $0x80, s3, s18, $0xb8;
	[tilespmem:$0x16900] =	vst v63  }
0x48: {  	_ =	swait.ge [sflag:s20], $0x2800  }
.Ltmp3:
0x49: {  	[sflag:s20] =	ssyncset.done $0x0;
	(pc) =	sbr.rel @p1 .LBB2_6-.Ltmp3, $4  }
0x4a: {  	[sflag:s20] =	ssyncadd.s32 $0xFFFFD800  }
0x4b: {  	[spmem:s2] =	stream.indirect.scatter.add.f32 [tilespmem:s19], [sflag:$0x2], $0x80, s17, s18, $0xb8;
	[tilespmem:$0x16900] =	vst v63  }
0x4c: {  	_ =	swait.ge [sflag:s16], $0x2800  }
0x4d: {  	s23 =	smov.u32 s26;
	[sflag:s16] =	ssyncset.done $0x0  }
.Ltmp4:
0x4e: {  	_ = 	snop;
	(pc) =	sbr.rel .LBB2_7-.Ltmp4, $1  }
0x4f: {  	_ =	sdelay $0x3  }
.LBB2_2:
0x50: {  	s22 =	sadd.s32 $0x0, s12  }
0x51: {  	[tilespmem:s3], [sflag:$0x2] =	stream.linear.gather [hbm4b:s22+s3], $0x50, $0x38;
	[tilespmem:$0x16900] =	vst v63  }
0x52: {  	_ =	swait.ge [sflag:s16], $0x50  }
0x53: {  	[sflag:s16] =	ssyncset.done $0x0  }
0x54: {  	s31 =	sadd.s32 $0x0, s11;
	[sflag:s16] =	ssyncadd.s32 $0xFFFFFFB0  }
0x55: {  	[tilespmem:s17], [sflag:$0x2] =	stream.linear.gather [hbm4b:s31+s3], $0x50, $0x38;
	[tilespmem:$0x16900] =	vst v63  }
0x56: {  	_ =	swait.ge [sflag:s16], $0x50  }
0x57: {  	[sflag:s16] =	ssyncset.done $0x0  }
0x58: {  	[sflag:s16] =	ssyncadd.s32 $0xFFFFFFB0  }
0x59: {  	[tilespmem:s19], [sflag:$0x1] =	stream.indirect.gather [hbm4b:s4+s18], $0x80, s3, s18, $0xb8;
	[tilespmem:$0x16900] =	vst v63  }
0x5a: {  	_ =	swait.ge [sflag:s20], $0x2800  }
0x5b: {  	[sflag:s20] =	ssyncset.done $0x0  }
0x5c: {  	[sflag:s20] =	ssyncadd.s32 $0xFFFFD800  }
0x5d: {  	[spmem:s2] =	stream.indirect.scatter.add.f32 [tilespmem:s19], [sflag:$0x2], $0x80, s17, s18, $0xb8;
	[tilespmem:$0x16900] =	vst v63  }
0x5e: {  	_ =	swait.ge [sflag:s16], $0x2800  }
0x5f: {  	s23 =	simm.s32 $0x14;
	s22 =	simm.s32 $0xA;
	[sflag:s16] =	ssyncset.done $0x0  }
.LBB2_3:
0x60: {  	s24 =	sadd.s32 s22, s12  }
0x61: {  	[sflag:s16] =	ssyncadd.s32 $0xFFFFD800;
	s25 =	smov.u32 s23;
	s26 =	sadd.s32 $0xA, s23  }
0x62: {  	[tilespmem:s3], [sflag:$0x2] =	stream.linear.gather [hbm4b:s24+s3], $0x50, $0x38;
	[tilespmem:$0x16900] =	vst v63  }
0x63: {  	p1 =	seq.s32 s23, $0x4D8;
	_ =	swait.ge [sflag:s16], $0x50  }
0x64: {  	[sflag:s16] =	ssyncset.done $0x0  }
0x65: {  	s23 =	sadd.s32 s22, s11;
	s22 =	smov.u32 s25;
	[sflag:s16] =	ssyncadd.s32 $0xFFFFFFB0  }
0x66: {  	[tilespmem:s17], [sflag:$0x2] =	stream.linear.gather [hbm4b:s23+s3], $0x50, $0x38;
	[tilespmem:$0x16900] =	vst v63  }
0x67: {  	_ =	swait.ge [sflag:s16], $0x50  }
0x68: {  	[sflag:s16] =	ssyncset.done $0x0  }
0x69: {  	[sflag:s16] =	ssyncadd.s32 $0xFFFFFFB0  }
0x6a: {  	[tilespmem:s19], [sflag:$0x1] =	stream.indirect.gather [hbm4b:s4+s18], $0x80, s3, s18, $0xb8;
	[tilespmem:$0x16900] =	vst v63  }
0x6b: {  	_ =	swait.ge [sflag:s20], $0x2800  }
.Ltmp5:
0x6c: {  	[sflag:s20] =	ssyncset.done $0x0;
	(pc) =	sbr.rel @!p1 .LBB2_3-.Ltmp5, $4  }
0x6d: {  	[sflag:s20] =	ssyncadd.s32 $0xFFFFD800  }
0x6e: {  	[spmem:s2] =	stream.indirect.scatter.add.f32 [tilespmem:s19], [sflag:$0x2], $0x80, s17, s18, $0xb8;
	[tilespmem:$0x16900] =	vst v63  }
0x6f: {  	_ =	swait.ge [sflag:s16], $0x2800  }
0x70: {  	s23 =	smov.u32 s26;
	[sflag:s16] =	ssyncset.done $0x0  }
0x71: {  	s23 =	sadd.s32 s22, s12;
	[sflag:s16] =	ssyncadd.s32 $0xFFFFD800  }
0x72: {  	[tilespmem:s3], [sflag:$0x2] =	stream.linear.gather [hbm4b:s23+s3], $0x50, $0x38;
	[tilespmem:$0x16900] =	vst v63  }
0x73: {  	_ =	swait.ge [sflag:s16], $0x50  }
0x74: {  	[sflag:s16] =	ssyncset.done $0x0  }
0x75: {  	s31 =	sadd.s32 s22, s11;
	[sflag:s16] =	ssyncadd.s32 $0xFFFFFFB0  }
0x76: {  	[tilespmem:s17], [sflag:$0x2] =	stream.linear.gather [hbm4b:s31+s3], $0x50, $0x38;
	[tilespmem:$0x16900] =	vst v63  }
0x77: {  	_ =	swait.ge [sflag:s16], $0x50  }
0x78: {  	[sflag:s16] =	ssyncset.done $0x0  }
0x79: {  	[sflag:s16] =	ssyncadd.s32 $0xFFFFFFB0  }
0x7a: {  	[tilespmem:s19], [sflag:$0x1] =	stream.indirect.gather [hbm4b:s4+s18], $0x80, s3, s18, $0xb8;
	[tilespmem:$0x16900] =	vst v63  }
0x7b: {  	_ =	swait.ge [sflag:s20], $0x2800  }
0x7c: {  	[sflag:s20] =	ssyncset.done $0x0  }
.Ltmp6:
0x7d: {  	[sflag:s20] =	ssyncadd.s32 $0xFFFFD800;
	(pc) =	sbr.rel .LBB2_8-.Ltmp6, $4  }
0x7e: {  	[spmem:s2] =	stream.indirect.scatter.add.f32 [tilespmem:s19], [sflag:$0x2], $0x80, s17, s18, $0xb8;
	[tilespmem:$0x16900] =	vst v63  }
0x7f: {  	_ =	swait.ge [sflag:s16], $0x2800  }
0x80: {  	[sflag:s16] =	ssyncset.done $0x0  }
0x81: {  	s22 =	smov.u32 s6;
	[sflag:s16] =	ssyncadd.s32 $0xFFFFD800  }
.LBB2_9:
0x82: {  	_ =	sfence.sel $0x180000  }
0x83: {  	[bflag:$0x0] =	sbarrier.arrive $0xFFFF  }
0x84: {  	p0 =	sne.s32 s1, $0x0;
	_ =	strace $0x90000050  }
0x85: {  	s0 =	sadd.s32 @!p0 $0x100000, s0;
	[bflag:$0x2] =	sbarrier.arrive $0xFFFF  }
0x86: {  	[sflag:s0] =	ssyncadd.tile.s32 @!p0 $0x1;
	_ =	shalt  }
.Lfunc_end2:
_tile_overlayer_lowered:
.L_overlay_start_2:
0x87: {  	(tag) =	ssettag $0x2  }
0x88: {  	s0 =	rddreg [dreg:$0x0];
	s2 =	stileid.u32  }
0x89: {  	s1 =	rddreg [dreg:$0x1];
	p0 =	sne.s32 s2, $0x0  }
0x8a: {  	s3 =	rddreg [dreg:$0x2];
	[bflag:$0x3] =	sbarrier.arrive $0xFFFF;
	s2 =	simm.s32 @!p0 $0x1C02  }
0x8b: {  	[timem:s3], [sflag:s2] =	dma.local @!p0 [hbm:s0], s1  }
0x8c: {  	s0 =	simm.s32 @!p0 $0x2  }
0x8d: {  	_ =	swait.ge @!p0 [sflag:s0], s1  }
0x8e: {  	s1 =	ssub.s32 @!p0 $0x0, s1;
	[sflag:s0] =	ssyncset.done @!p0 $0x0  }
0x8f: {  	[sflag:s0] =	ssyncadd.s32 @!p0 s1  }
0x90: {  	[bflag:$0x3] =	sbarrier.arrive $0xFFFF  }
0x91: {  	_ =	shalt  }

</sc_bundles>
